<compile_context>
chip_gen: v7x
topology: tpu7x:2x2x1
jax: 0.10.2.dev20260603
libtpu: 0.0.44.dev20260713+nightly
codegen_flags: <defaults>
</compile_context>

<pallas_src>
import dataclasses
import functools

import jax
import jax.numpy as jnp
import numpy as np
from jax import lax
from jax.experimental import pallas as pl
from jax.experimental.pallas import tpu as pltpu
from jax.experimental.pallas import tpu_sc as plsc

NB = 100
SCALE = 3.0
HALF = np.float32(SCALE / 2.0)
STEP = np.float32(SCALE / NB)
NVOX = NB * NB * NB
PAD_ROWS = 8
DUMMY = NVOX
ROW = 8

NC, NS, L = 2, 16, 16
NW = NC * NS

C = 2048


def _make_sc_kernel(n_points):
    npw = n_points // NW
    nch = npw // C
    assert npw * NW == n_points and nch * C == npw
    assert nch % 2 == 0 and nch >= 4

    mesh = plsc.VectorSubcoreMesh(core_axis_name="c", subcore_axis_name="s")

    cp = pltpu.CompilerParams()
    fields = pltpu.CompilerParams.__dataclass_fields__
    if "needs_layout_passes" in fields:
        cp = dataclasses.replace(cp, needs_layout_passes=False)
    if "use_tc_tiling_on_sc" in fields:
        cp = dataclasses.replace(cp, use_tc_tiling_on_sc=False)

    @functools.partial(
        pl.kernel,
        out_type=jax.ShapeDtypeStruct((n_points // 128, 4, 128), jnp.float32),
        mesh=mesh,
        compiler_params=cp,
        scratch_types=[
            pltpu.VMEM((2, C // 128, 4, 128), jnp.float32),
            pltpu.VMEM((2, C), jnp.int32),
            pltpu.VMEM((2, C), jnp.int32),
            pltpu.VMEM((2, C, ROW), jnp.float32),
            pltpu.VMEM((2, C // 128, 4, 128), jnp.float32),
            pltpu.SemaphoreType.DMA,
            pltpu.SemaphoreType.DMA,
            pltpu.SemaphoreType.DMA,
            pltpu.SemaphoreType.DMA,
            pltpu.SemaphoreType.DMA,
        ],
    )
    def sc_kernel(xyz_hbm, vox_hbm, out_hbm, xyz_v, idx_v, off_v, rows_v,
                  out_v, sem_x, sem_g0, sem_g1, sem_o0, sem_o1):
        wid = lax.axis_index("s") * NC + lax.axis_index("c")
        base = wid * npw
        sem_g = (sem_g0, sem_g1)
        sem_o = (sem_o0, sem_o1)

        iota = jax.lax.iota(jnp.int32, L)

        def fire_xyz(ch, b):
            return pltpu.async_copy(
                xyz_hbm.at[pl.ds((base + ch * C) // 128, C // 128)],
                xyz_v.at[b], sem_x)

        def phase1(ch, b):
            @pl.loop(0, C // L)
            def _idx(g):
                s = pl.ds(g * L, L)
                blk = g // 8
                si = pl.ds((g % 8) * L, L)
                x = xyz_v[b, blk, 0, si]
                y = xyz_v[b, blk, 1, si]
                z = xyz_v[b, blk, 2, si]
                cond = ((jnp.abs(x) < HALF) & (jnp.abs(y) < HALF)
                        & (jnp.abs(z) < HALF))
                ix = jnp.clip((x / STEP + 50.0).astype(jnp.int32), 0, NB - 1)
                iy = jnp.clip((y / STEP + 50.0).astype(jnp.int32), 0, NB - 1)
                iz = jnp.clip((z / STEP + 50.0).astype(jnp.int32), 0, NB - 1)
                flat = (ix * NB + iy) * NB + iz
                flat = jnp.where(cond, flat, DUMMY)
                idx_v[b, s] = flat >> 1
                off_v[b, s] = (flat & 1) << 2

        def phase3(b):
            @pl.loop(0, C // L)
            def _act(g):
                s = pl.ds(g * L, L)
                pt = iota + g * L
                o = off_v[b, s]
                blk = g // 8
                so = pl.ds((g % 8) * L, L)
                for c in range(3):
                    v = plsc.load_gather(rows_v.at[b], [pt, o + c])
                    out_v[b, blk, c, so] = 1.0 / (1.0 + jnp.exp(-v))
                d = plsc.load_gather(rows_v.at[b], [pt, o + 3])
                out_v[b, blk, 3, so] = jnp.maximum(d, 0.0)

        def fire_out(ch, b):
            return pltpu.async_copy(
                out_v.at[b],
                out_hbm.at[pl.ds((base + ch * C) // 128, C // 128)], sem_o[b])

        fire_xyz(0, 0)

        @pl.loop(0, nch // 2)
        def _outer(t):
            for p in range(2):
                ch = t * 2 + p
                b = p
                pltpu.make_async_copy(
                    xyz_hbm.at[pl.ds((base + ch * C) // 128, C // 128)],
                    xyz_v.at[b], sem_x).wait()
                phase1(ch, b)
                for u in range(4):
                    pltpu.async_copy(
                        vox_hbm.at[idx_v.at[b, pl.ds(u * (C // 4), C // 4)]],
                        rows_v.at[b, pl.ds(u * (C // 4), C // 4)], sem_g[b])

                @pl.when(ch + 1 < nch)
                def _():
                    fire_xyz(ch + 1, 1 - b)

                @pl.when(ch > 0)
                def _():
                    q = 1 - b
                    for u in range(4):
                        pltpu.make_async_copy(
                            vox_hbm.at[idx_v.at[q, pl.ds(u * (C // 4), C // 4)]],
                            rows_v.at[q, pl.ds(u * (C // 4), C // 4)],
                            sem_g[q]).wait()

                    @pl.when(ch >= 3)
                    def _():
                        pltpu.make_async_copy(
                            out_v.at[q],
                            out_hbm.at[pl.ds((base + (ch - 3) * C) // 128,
                                             C // 128)],
                            sem_o[q]).wait()

                    phase3(q)
                    fire_out(ch - 1, q)

        qf = (nch - 1) % 2
        for u in range(4):
            pltpu.make_async_copy(
                vox_hbm.at[idx_v.at[qf, pl.ds(u * (C // 4), C // 4)]],
                rows_v.at[qf, pl.ds(u * (C // 4), C // 4)], sem_g[qf]).wait()
        pltpu.make_async_copy(
            out_v.at[qf],
            out_hbm.at[pl.ds((base + (nch - 3) * C) // 128, C // 128)],
            sem_o[qf]).wait()
        phase3(qf)
        fire_out(nch - 1, qf)
        pltpu.make_async_copy(
            out_v.at[1 - qf],
            out_hbm.at[pl.ds((base + (nch - 2) * C) // 128, C // 128)],
            sem_o[1 - qf]).wait()
        pltpu.make_async_copy(
            out_v.at[qf],
            out_hbm.at[pl.ds((base + (nch - 1) * C) // 128, C // 128)],
            sem_o[qf]).wait()

    return sc_kernel


_N_POINTS = 4194304
_SC_KERNEL = _make_sc_kernel(_N_POINTS)


def kernel(xyz, voxels):
    vox = jnp.pad(voxels.reshape(-1), (0, PAD_ROWS * 4)).reshape(-1, ROW)
    xyz3 = jnp.pad(xyz, ((0, 0), (0, 1)))
    xyz3 = xyz3.reshape(_N_POINTS // 128, 128, 4).transpose(0, 2, 1)
    out = _SC_KERNEL(xyz3, vox)
    return out.transpose(0, 2, 1).reshape(_N_POINTS, 4)

# --- scband reference (transcript-rebuilt; emitter-appended) ---
"""Pipeline reference for scband-voxels-71356586656251 (READ-ONLY COPY).

The authoritative reference and input builder live on the scoring server;
editing this copy changes nothing except your own understanding.
"""

import jax, jax.numpy as jnp
import numpy as np

NB_VOXELS = 100
SCALE = 3.0
N_POINTS = 4194304

def setup_inputs(seed: int = 0) -> dict:
    key = jax.random.key(seed)
    k1, k2 = jax.random.split(key)
    xyz = jax.random.normal(k1, (N_POINTS, 3), dtype=jnp.float32)
    # learned voxel grid parameter: [nb_voxels, nb_voxels, nb_voxels, 4] (rgb + density)
    voxels = jax.random.uniform(k2, (NB_VOXELS, NB_VOXELS, NB_VOXELS, 4), dtype=jnp.float32)
    return {"xyz": xyz, "voxels": voxels}

def reference(xyz, voxels):
    x = xyz[:, 0]
    y = xyz[:, 1]
    z = xyz[:, 2]
    half = SCALE / 2.0
    cond = (jnp.abs(x) < half) & (jnp.abs(y) < half) & (jnp.abs(z) < half)
    step = SCALE / NB_VOXELS
    # continuous coord -> voxel index (torch: (coord / step + nb/2).long())
    indx = jnp.clip((x / step + NB_VOXELS / 2.0).astype(jnp.int32), 0, NB_VOXELS - 1)
    indy = jnp.clip((y / step + NB_VOXELS / 2.0).astype(jnp.int32), 0, NB_VOXELS - 1)
    indz = jnp.clip((z / step + NB_VOXELS / 2.0).astype(jnp.int32), 0, NB_VOXELS - 1)
    gathered = voxels[indx, indy, indz]  # [N, 4] gather from 3D grid
    # out-of-bounds points get zeros (torch: colors_and_densities initialized to zeros,
    # only cond rows written)
    colors_and_densities = jnp.where(cond[:, None], gathered, 0.0)
    colors = jax.nn.sigmoid(colors_and_densities[:, :3])
    density = jax.nn.relu(colors_and_densities[:, -1:])
    return jnp.concatenate([colors, density], axis=1)  # [N, 4]

if __name__ == "__main__":
    import jax
    _d = setup_inputs()
    print(jax.jit(kernel)(*tuple(_d.values())))

</pallas_src>

<mosaic_0001>
#map = affine_map<(d0, d1) -> (0, 0, 0)>
#map1 = affine_map<(d0, d1) -> (0, 0)>
module attributes {stable_mosaic.version = 14 : i64} {
  func.func @sc_kernel(%arg0: i32, %arg1: i32, %arg2: memref<32768x4x128xf32, #tpu.memory_space<hbm>>, %arg3: memref<500004x8xf32, #tpu.memory_space<hbm>>, %arg4: memref<32768x4x128xf32, #tpu.memory_space<hbm>>, %arg5: memref<2x16x4x128xf32, #tpu.memory_space<vmem>>, %arg6: memref<2x2048xi32, #tpu.memory_space<vmem>>, %arg7: memref<2x2048xi32, #tpu.memory_space<vmem>>, %arg8: memref<2x2048x8xf32, #tpu.memory_space<vmem>>, %arg9: memref<2x16x4x128xf32, #tpu.memory_space<vmem>>, %arg10: memref<!tpu.dma_semaphore, #tpu.memory_space<semaphore_mem>>, %arg11: memref<!tpu.dma_semaphore, #tpu.memory_space<semaphore_mem>>, %arg12: memref<!tpu.dma_semaphore, #tpu.memory_space<semaphore_mem>>, %arg13: memref<!tpu.dma_semaphore, #tpu.memory_space<semaphore_mem>>, %arg14: memref<!tpu.dma_semaphore, #tpu.memory_space<semaphore_mem>>) attributes {dimension_semantics = [#tpu.dimension_semantics<core_parallel>, #tpu.dimension_semantics<subcore_parallel>], iteration_bounds = array<i64: 2, 16>, scalar_prefetch = 0 : i64, scratch_operands = 10 : i64, tpu.core_type = #tpu.core_type<sc_vector_subcore>, window_params = [{transform_indices = #map}, {transform_indices = #map1}, {transform_indices = #map}]} {
    %mul3A = arith.constant 2 : i32
    %mul3A_0 = arith.muli %arg1, %mul3A : i32
    %add3A = arith.addi %mul3A_0, %arg0 : i32
    %mul3A_1 = arith.constant 131072 : i32
    %mul3A_2 = arith.muli %add3A, %mul3A_1 : i32
    %iota3A = tpu.iota {dimensions = array<i32: 0>} : vector<16xi32>
    %add3A_3 = arith.constant 0 : i32
    %add3A_4 = arith.addi %mul3A_2, %add3A_3 : i32
    %jit3A = arith.constant 128 : i32
    %div3A = arith.divsi %add3A_4, %jit3A : i32
    %sign3A = arith.constant 0 : i32
    %sign3A_5 = arith.cmpi sgt, %add3A_4, %sign3A : i32
    %sign3A_6 = arith.extui %sign3A_5 : i1 to i32
    %sign3A_7 = arith.constant 0 : i32
    %sign3A_8 = arith.cmpi slt, %add3A_4, %sign3A_7 : i32
    %sign3A_9 = arith.extui %sign3A_8 : i1 to i32
    %sign3A_10 = arith.subi %sign3A_6, %sign3A_9 : i32
    %sign3A_11 = arith.constant 0 : i32
    %sign3A_12 = arith.cmpi sgt, %jit3A, %sign3A_11 : i32
    %sign3A_13 = arith.extui %sign3A_12 : i1 to i32
    %sign3A_14 = arith.constant 0 : i32
    %sign3A_15 = arith.cmpi slt, %jit3A, %sign3A_14 : i32
    %sign3A_16 = arith.extui %sign3A_15 : i1 to i32
    %sign3A_17 = arith.subi %sign3A_13, %sign3A_16 : i32
    %ne3A = arith.cmpi ne, %sign3A_10, %sign3A_17 : i32
    %rem3A = arith.remsi %add3A_4, %jit3A : i32
    %ne3A_18 = arith.constant 0 : i32
    %ne3A_19 = arith.cmpi ne, %rem3A, %ne3A_18 : i32
    %and3A = arith.andi %ne3A, %ne3A_19 : i1
    %sub3A = arith.constant 1 : i32
    %sub3A_20 = arith.subi %div3A, %sub3A : i32
    %select_n3A = arith.select %and3A, %sub3A_20, %div3A : i32
    %dma_start3A = arith.constant 0 : i32
    %dma_start3A_21 = arith.constant 0 : i32
    %dma_start3A_22 = arith.constant 0 : i32
    %dma_start3A_23 = arith.constant 0 : i32
    %dma_start3A_24 = tpu.memref_slice %arg5[%dma_start3A, %dma_start3A_21, %dma_start3A_22, %dma_start3A_23] : memref<2x16x4x128xf32, #tpu.memory_space<vmem>> -> memref<1x16x4x128xf32, #tpu.memory_space<vmem>>
    %dma_start3A_25 = tpu.memref_squeeze %dma_start3A_24 : memref<1x16x4x128xf32, #tpu.memory_space<vmem>> -> memref<16x4x128xf32, #tpu.memory_space<vmem>>
    %dma_start3A_26 = arith.constant 0 : i32
    %dma_start3A_27 = arith.constant 0 : i32
    %dma_start3A_28 = tpu.memref_slice %arg2[%select_n3A, %dma_start3A_26, %dma_start3A_27] : memref<32768x4x128xf32, #tpu.memory_space<hbm>> -> memref<16x4x128xf32, #tpu.memory_space<hbm>>
    %dma_start3A_29 = arith.constant 0 : i32
    %dma_start3A_30 = arith.constant 0 : i32
    %dma_start3A_31 = arith.constant 0 : i32
    %dma_start3A_32 = tpu.memref_slice %arg5[%dma_start3A, %dma_start3A_29, %dma_start3A_30, %dma_start3A_31] : memref<2x16x4x128xf32, #tpu.memory_space<vmem>> -> memref<1x16x4x128xf32, #tpu.memory_space<vmem>>
    %dma_start3A_33 = tpu.memref_squeeze %dma_start3A_32 : memref<1x16x4x128xf32, #tpu.memory_space<vmem>> -> memref<16x4x128xf32, #tpu.memory_space<vmem>>
    %dma_start3A_34 = arith.constant 0 : i32
    %dma_start3A_35 = arith.constant 0 : i32
    %dma_start3A_36 = tpu.memref_slice %arg2[%select_n3A, %dma_start3A_34, %dma_start3A_35] : memref<32768x4x128xf32, #tpu.memory_space<hbm>> -> memref<16x4x128xf32, #tpu.memory_space<hbm>>
    tpu.enqueue_dma source(%dma_start3A_36 : memref<16x4x128xf32, #tpu.memory_space<hbm>>) target(%dma_start3A_33 : memref<16x4x128xf32, #tpu.memory_space<vmem>>) target_semaphore(%arg10 : memref<!tpu.dma_semaphore, #tpu.memory_space<semaphore_mem>>)
    %scan3A = arith.constant 0 : i32
    %scan3A_37 = arith.constant 32 : i32
    %scan3A_38 = arith.addi %scan3A, %scan3A_37 : i32
    %scan3A_39 = arith.constant 1 : i32
    scf.for %scan3A_265 = %scan3A to %scan3A_38 step %scan3A_39  : i32 {
      %mul3A_266 = arith.constant 1 : i32
      %mul3A_267 = arith.muli %scan3A_265, %mul3A_266 : i32
      %add3A_268 = arith.constant 0 : i32
      %add3A_269 = arith.addi %add3A_268, %mul3A_267 : i32
      %mul3A_270 = arith.constant 2 : i32
      %mul3A_271 = arith.muli %add3A_269, %mul3A_270 : i32
      %add3A_272 = arith.constant 0 : i32
      %add3A_273 = arith.addi %mul3A_271, %add3A_272 : i32
      %mul3A_274 = arith.constant 2048 : i32
      %mul3A_275 = arith.muli %add3A_273, %mul3A_274 : i32
      %add3A_276 = arith.addi %mul3A_2, %mul3A_275 : i32
      %jit3A_277 = arith.constant 128 : i32
      %div3A_278 = arith.divsi %add3A_276, %jit3A_277 : i32
      %sign3A_279 = arith.constant 0 : i32
      %sign3A_280 = arith.cmpi sgt, %add3A_276, %sign3A_279 : i32
      %sign3A_281 = arith.extui %sign3A_280 : i1 to i32
      %sign3A_282 = arith.constant 0 : i32
      %sign3A_283 = arith.cmpi slt, %add3A_276, %sign3A_282 : i32
      %sign3A_284 = arith.extui %sign3A_283 : i1 to i32
      %sign3A_285 = arith.subi %sign3A_281, %sign3A_284 : i32
      %sign3A_286 = arith.constant 0 : i32
      %sign3A_287 = arith.cmpi sgt, %jit3A_277, %sign3A_286 : i32
      %sign3A_288 = arith.extui %sign3A_287 : i1 to i32
      %sign3A_289 = arith.constant 0 : i32
      %sign3A_290 = arith.cmpi slt, %jit3A_277, %sign3A_289 : i32
      %sign3A_291 = arith.extui %sign3A_290 : i1 to i32
      %sign3A_292 = arith.subi %sign3A_288, %sign3A_291 : i32
      %ne3A_293 = arith.cmpi ne, %sign3A_285, %sign3A_292 : i32
      %rem3A_294 = arith.remsi %add3A_276, %jit3A_277 : i32
      %ne3A_295 = arith.constant 0 : i32
      %ne3A_296 = arith.cmpi ne, %rem3A_294, %ne3A_295 : i32
      %and3A_297 = arith.andi %ne3A_293, %ne3A_296 : i1
      %sub3A_298 = arith.constant 1 : i32
      %sub3A_299 = arith.subi %div3A_278, %sub3A_298 : i32
      %select_n3A_300 = arith.select %and3A_297, %sub3A_299, %div3A_278 : i32
      %dma_wait3A_301 = arith.constant 0 : i32
      %dma_wait3A_302 = arith.constant 0 : i32
      %dma_wait3A_303 = arith.constant 0 : i32
      %dma_wait3A_304 = arith.constant 0 : i32
      %dma_wait3A_305 = tpu.memref_slice %arg5[%dma_wait3A_301, %dma_wait3A_302, %dma_wait3A_303, %dma_wait3A_304] : memref<2x16x4x128xf32, #tpu.memory_space<vmem>> -> memref<1x16x4x128xf32, #tpu.memory_space<vmem>>
      %dma_wait3A_306 = tpu.memref_squeeze %dma_wait3A_305 : memref<1x16x4x128xf32, #tpu.memory_space<vmem>> -> memref<16x4x128xf32, #tpu.memory_space<vmem>>
      %dma_wait3A_307 = arith.constant 0 : i32
      %dma_wait3A_308 = arith.constant 0 : i32
      %dma_wait3A_309 = tpu.memref_slice %arg2[%select_n3A_300, %dma_wait3A_307, %dma_wait3A_308] : memref<32768x4x128xf32, #tpu.memory_space<hbm>> -> memref<16x4x128xf32, #tpu.memory_space<hbm>>
      %dma_wait3A_310 = arith.constant 0 : i32
      %dma_wait3A_311 = arith.constant 0 : i32
      %dma_wait3A_312 = arith.constant 0 : i32
      %dma_wait3A_313 = tpu.memref_slice %arg5[%dma_wait3A_301, %dma_wait3A_310, %dma_wait3A_311, %dma_wait3A_312] : memref<2x16x4x128xf32, #tpu.memory_space<vmem>> -> memref<1x16x4x128xf32, #tpu.memory_space<vmem>>
      %dma_wait3A_314 = tpu.memref_squeeze %dma_wait3A_313 : memref<1x16x4x128xf32, #tpu.memory_space<vmem>> -> memref<16x4x128xf32, #tpu.memory_space<vmem>>
      %dma_wait3A_315 = arith.constant 0 : i32
      %dma_wait3A_316 = arith.constant 0 : i32
      %dma_wait3A_317 = tpu.memref_slice %arg2[%select_n3A_300, %dma_wait3A_315, %dma_wait3A_316] : memref<32768x4x128xf32, #tpu.memory_space<hbm>> -> memref<16x4x128xf32, #tpu.memory_space<hbm>>
      tpu.wait_dma2 semaphore(%arg10 : memref<!tpu.dma_semaphore, #tpu.memory_space<semaphore_mem>>) src(%dma_wait3A_317 : memref<16x4x128xf32, #tpu.memory_space<hbm>>) dst(%dma_wait3A_314 : memref<16x4x128xf32, #tpu.memory_space<vmem>>)
      %scan3A_318 = arith.constant 0 : i32
      %scan3A_319 = arith.constant 128 : i32
      %scan3A_320 = arith.addi %scan3A_318, %scan3A_319 : i32
      %scan3A_321 = arith.constant 1 : i32
      scf.for %scan3A_492 = %scan3A_318 to %scan3A_320 step %scan3A_321  : i32 {
        %mul3A_493 = arith.constant 1 : i32
        %mul3A_494 = arith.muli %scan3A_492, %mul3A_493 : i32
        %add3A_495 = arith.constant 0 : i32
        %add3A_496 = arith.addi %add3A_495, %mul3A_494 : i32
        %mul3A_497 = arith.constant 16 : i32
        %mul3A_498 = arith.muli %add3A_496, %mul3A_497 : i32
        %jit3A_499 = arith.constant 8 : i32
        %div3A_500 = arith.divsi %add3A_496, %jit3A_499 : i32
        %sign3A_501 = arith.constant 0 : i32
        %sign3A_502 = arith.cmpi sgt, %add3A_496, %sign3A_501 : i32
        %sign3A_503 = arith.extui %sign3A_502 : i1 to i32
        %sign3A_504 = arith.constant 0 : i32
        %sign3A_505 = arith.cmpi slt, %add3A_496, %sign3A_504 : i32
        %sign3A_506 = arith.extui %sign3A_505 : i1 to i32
        %sign3A_507 = arith.subi %sign3A_503, %sign3A_506 : i32
        %sign3A_508 = arith.constant 0 : i32
        %sign3A_509 = arith.cmpi sgt, %jit3A_499, %sign3A_508 : i32
        %sign3A_510 = arith.extui %sign3A_509 : i1 to i32
        %sign3A_511 = arith.constant 0 : i32
        %sign3A_512 = arith.cmpi slt, %jit3A_499, %sign3A_511 : i32
        %sign3A_513 = arith.extui %sign3A_512 : i1 to i32
        %sign3A_514 = arith.subi %sign3A_510, %sign3A_513 : i32
        %ne3A_515 = arith.cmpi ne, %sign3A_507, %sign3A_514 : i32
        %rem3A_516 = arith.remsi %add3A_496, %jit3A_499 : i32
        %ne3A_517 = arith.constant 0 : i32
        %ne3A_518 = arith.cmpi ne, %rem3A_516, %ne3A_517 : i32
        %and3A_519 = arith.andi %ne3A_515, %ne3A_518 : i1
        %sub3A_520 = arith.constant 1 : i32
        %sub3A_521 = arith.subi %div3A_500, %sub3A_520 : i32
        %select_n3A_522 = arith.select %and3A_519, %sub3A_521, %div3A_500 : i32
        %jit3A_523 = arith.constant 8 : i32
        %eq3A = arith.constant 0 : i32
        %eq3A_524 = arith.cmpi eq, %jit3A_523, %eq3A : i32
        %jit3A_525 = arith.constant 1 : i32
        %select_n3A_526 = arith.select %eq3A_524, %jit3A_525, %jit3A_523 : i32
        %rem3A_527 = arith.remsi %add3A_496, %select_n3A_526 : i32
        %ne3A_528 = arith.constant 0 : i32
        %ne3A_529 = arith.cmpi ne, %rem3A_527, %ne3A_528 : i32
        %lt3A_530 = arith.constant 0 : i32
        %lt3A_531 = arith.cmpi slt, %rem3A_527, %lt3A_530 : i32
        %lt3A_532 = arith.constant 0 : i32
        %lt3A_533 = arith.cmpi slt, %select_n3A_526, %lt3A_532 : i32
        %ne3A_534 = arith.xori %lt3A_531, %lt3A_533 : i1
        %and3A_535 = arith.andi %ne3A_534, %ne3A_529 : i1
        %add3A_536 = arith.addi %rem3A_527, %select_n3A_526 : i32
        %select_n3A_537 = arith.select %and3A_535, %add3A_536, %rem3A_527 : i32
        %mul3A_538 = arith.constant 16 : i32
        %mul3A_539 = arith.muli %select_n3A_537, %mul3A_538 : i32
        %get3A = arith.constant 0 : i32
        %get3A_540 = arith.constant 0 : i32
        %get3A_541 = arith.index_cast %get3A : i32 to index
        %get3A_542 = arith.index_cast %select_n3A_522 : i32 to index
        %get3A_543 = arith.index_cast %get3A_540 : i32 to index
        %get3A_544 = arith.index_cast %mul3A_539 : i32 to index
        %get3A_545 = tpu.vector_load %arg5[%get3A_541, %get3A_542, %get3A_543, %get3A_544] {strides = array<i32>} : memref<2x16x4x128xf32, #tpu.memory_space<vmem>>, vector<16xf32>,
        %get3A_546 = arith.constant 0 : i32
        %get3A_547 = arith.constant 1 : i32
        %get3A_548 = arith.index_cast %get3A_546 : i32 to index
        %get3A_549 = arith.index_cast %select_n3A_522 : i32 to index
        %get3A_550 = arith.index_cast %get3A_547 : i32 to index
        %get3A_551 = arith.index_cast %mul3A_539 : i32 to index
        %get3A_552 = tpu.vector_load %arg5[%get3A_548, %get3A_549, %get3A_550, %get3A_551] {strides = array<i32>} : memref<2x16x4x128xf32, #tpu.memory_space<vmem>>, vector<16xf32>,
        %get3A_553 = arith.constant 0 : i32
        %get3A_554 = arith.constant 2 : i32
        %get3A_555 = arith.index_cast %get3A_553 : i32 to index
        %get3A_556 = arith.index_cast %select_n3A_522 : i32 to index
        %get3A_557 = arith.index_cast %get3A_554 : i32 to index
        %get3A_558 = arith.index_cast %mul3A_539 : i32 to index
        %get3A_559 = tpu.vector_load %arg5[%get3A_555, %get3A_556, %get3A_557, %get3A_558] {strides = array<i32>} : memref<2x16x4x128xf32, #tpu.memory_space<vmem>>, vector<16xf32>,
        %abs3A = math.absf %get3A_545 : vector<16xf32>
        %lt3A_560 = arith.constant 1.500000e+00 : f32
        %lt3A_561 = vector.broadcast %lt3A_560 : f32 to vector<16xf32>
        %lt3A_562 = arith.cmpf olt, %abs3A, %lt3A_561 : vector<16xf32>
        %abs3A_563 = math.absf %get3A_552 : vector<16xf32>
        %lt3A_564 = arith.constant 1.500000e+00 : f32
        %lt3A_565 = vector.broadcast %lt3A_564 : f32 to vector<16xf32>
        %lt3A_566 = arith.cmpf olt, %abs3A_563, %lt3A_565 : vector<16xf32>
        %and3A_567 = arith.andi %lt3A_562, %lt3A_566 : vector<16xi1>
        %abs3A_568 = math.absf %get3A_559 : vector<16xf32>
        %lt3A_569 = arith.constant 1.500000e+00 : f32
        %lt3A_570 = vector.broadcast %lt3A_569 : f32 to vector<16xf32>
        %lt3A_571 = arith.cmpf olt, %abs3A_568, %lt3A_570 : vector<16xf32>
        %and3A_572 = arith.andi %and3A_567, %lt3A_571 : vector<16xi1>
        %div3A_573 = arith.constant 3.000000e-02 : f32
        %div3A_574 = vector.broadcast %div3A_573 : f32 to vector<16xf32>
        %div3A_575 = arith.divf %get3A_545, %div3A_574 : vector<16xf32>
        %add3A_576 = arith.constant 5.000000e+01 : f32
        %add3A_577 = vector.broadcast %add3A_576 : f32 to vector<16xf32>
        %add3A_578 = arith.addf %div3A_575, %add3A_577 : vector<16xf32>
        %convert_element_type3A_579 = arith.fptosi %add3A_578 : vector<16xf32> to vector<16xi32>
        %jit3A_580 = arith.constant 0 : i32
        %jit3A_581 = arith.constant 99 : i32
        %max3A = vector.broadcast %jit3A_580 : i32 to vector<16xi32>
        %max3A_582 = arith.maxsi %max3A, %convert_element_type3A_579 : vector<16xi32>
        %min3A = vector.broadcast %jit3A_581 : i32 to vector<16xi32>
        %min3A_583 = arith.minsi %min3A, %max3A_582 : vector<16xi32>
        %div3A_584 = arith.constant 3.000000e-02 : f32
        %div3A_585 = vector.broadcast %div3A_584 : f32 to vector<16xf32>
        %div3A_586 = arith.divf %get3A_552, %div3A_585 : vector<16xf32>
        %add3A_587 = arith.constant 5.000000e+01 : f32
        %add3A_588 = vector.broadcast %add3A_587 : f32 to vector<16xf32>
        %add3A_589 = arith.addf %div3A_586, %add3A_588 : vector<16xf32>
        %convert_element_type3A_590 = arith.fptosi %add3A_589 : vector<16xf32> to vector<16xi32>
        %jit3A_591 = arith.constant 0 : i32
        %jit3A_592 = arith.constant 99 : i32
        %max3A_593 = vector.broadcast %jit3A_591 : i32 to vector<16xi32>
        %max3A_594 = arith.maxsi %max3A_593, %convert_element_type3A_590 : vector<16xi32>
        %min3A_595 = vector.broadcast %jit3A_592 : i32 to vector<16xi32>
        %min3A_596 = arith.minsi %min3A_595, %max3A_594 : vector<16xi32>
        %div3A_597 = arith.constant 3.000000e-02 : f32
        %div3A_598 = vector.broadcast %div3A_597 : f32 to vector<16xf32>
        %div3A_599 = arith.divf %get3A_559, %div3A_598 : vector<16xf32>
        %add3A_600 = arith.constant 5.000000e+01 : f32
        %add3A_601 = vector.broadcast %add3A_600 : f32 to vector<16xf32>
        %add3A_602 = arith.addf %div3A_599, %add3A_601 : vector<16xf32>
        %convert_element_type3A_603 = arith.fptosi %add3A_602 : vector<16xf32> to vector<16xi32>
        %jit3A_604 = arith.constant 0 : i32
        %jit3A_605 = arith.constant 99 : i32
        %max3A_606 = vector.broadcast %jit3A_604 : i32 to vector<16xi32>
        %max3A_607 = arith.maxsi %max3A_606, %convert_element_type3A_603 : vector<16xi32>
        %min3A_608 = vector.broadcast %jit3A_605 : i32 to vector<16xi32>
        %min3A_609 = arith.minsi %min3A_608, %max3A_607 : vector<16xi32>
        %mul3A_610 = arith.constant 100 : i32
        %mul3A_611 = vector.broadcast %mul3A_610 : i32 to vector<16xi32>
        %mul3A_612 = arith.muli %min3A_583, %mul3A_611 : vector<16xi32>
        %add3A_613 = arith.addi %mul3A_612, %min3A_596 : vector<16xi32>
        %mul3A_614 = arith.constant 100 : i32
        %mul3A_615 = vector.broadcast %mul3A_614 : i32 to vector<16xi32>
        %mul3A_616 = arith.muli %add3A_613, %mul3A_615 : vector<16xi32>
        %add3A_617 = arith.addi %mul3A_616, %min3A_609 : vector<16xi32>
        %jit3A_618 = arith.constant 1000000 : i32
        %broadcast_in_dim3A = vector.broadcast %jit3A_618 : i32 to vector<16xi32>
        %select_n3A_619 = arith.select %and3A_572, %add3A_617, %broadcast_in_dim3A : vector<16xi1>, vector<16xi32>
        %shift_right_arithmetic3A = arith.constant 1 : i32
        %shift_right_arithmetic3A_620 = vector.broadcast %shift_right_arithmetic3A : i32 to vector<16xi32>
        %shift_right_arithmetic3A_621 = arith.shrsi %select_n3A_619, %shift_right_arithmetic3A_620 : vector<16xi32>
        %swap3A = arith.constant 0 : i32
        %swap3A_622 = arith.index_cast %swap3A : i32 to index
        %swap3A_623 = arith.index_cast %mul3A_498 : i32 to index
        %swap3A_624 = tpu.vector_load %arg6[%swap3A_622, %swap3A_623] {strides = array<i32>} : memref<2x2048xi32, #tpu.memory_space<vmem>>, vector<16xi32>,
        tpu.vector_store %arg6[%swap3A_622, %swap3A_623], %shift_right_arithmetic3A_621 {strides = array<i32>} : memref<2x2048xi32, #tpu.memory_space<vmem>>, vector<16xi32>,
        %and3A_625 = arith.constant 1 : i32
        %and3A_626 = vector.broadcast %and3A_625 : i32 to vector<16xi32>
        %and3A_627 = arith.andi %select_n3A_619, %and3A_626 : vector<16xi32>
        %shift_left3A = arith.constant 2 : i32
        %shift_left3A_628 = vector.broadcast %shift_left3A : i32 to vector<16xi32>
        %shift_left3A_629 = arith.shli %and3A_627, %shift_left3A_628 : vector<16xi32>
        %swap3A_630 = arith.constant 0 : i32
        %swap3A_631 = arith.index_cast %swap3A_630 : i32 to index
        %swap3A_632 = arith.index_cast %mul3A_498 : i32 to index
        %swap3A_633 = tpu.vector_load %arg7[%swap3A_631, %swap3A_632] {strides = array<i32>} : memref<2x2048xi32, #tpu.memory_space<vmem>>, vector<16xi32>,
        tpu.vector_store %arg7[%swap3A_631, %swap3A_632], %shift_left3A_629 {strides = array<i32>} : memref<2x2048xi32, #tpu.memory_space<vmem>>, vector<16xi32>,
      }
      %scan3A_322 = arith.constant 128 : i32
      %dma_start3A_323 = arith.constant 0 : i32
      %dma_start3A_324 = arith.constant 0 : i32
      %dma_start3A_325 = arith.constant 0 : i32
      %dma_start3A_326 = arith.constant 0 : i32
      %dma_start3A_327 = tpu.memref_slice %arg8[%dma_start3A_324, %dma_start3A_325, %dma_start3A_326] : memref<2x2048x8xf32, #tpu.memory_space<vmem>> -> memref<1x512x8xf32, #tpu.memory_space<vmem>>
      %dma_start3A_328 = tpu.memref_squeeze %dma_start3A_327 : memref<1x512x8xf32, #tpu.memory_space<vmem>> -> memref<512x8xf32, #tpu.memory_space<vmem>>
      %dma_start3A_329 = arith.constant 0 : i32
      %dma_start3A_330 = tpu.memref_slice %arg6[%dma_start3A_323, %dma_start3A_329] : memref<2x2048xi32, #tpu.memory_space<vmem>> -> memref<1x512xi32, #tpu.memory_space<vmem>>
      %dma_start3A_331 = tpu.memref_squeeze %dma_start3A_330 : memref<1x512xi32, #tpu.memory_space<vmem>> -> memref<512xi32, #tpu.memory_space<vmem>>
      %dma_start3A_332 = arith.constant 0 : i32
      %dma_start3A_333 = arith.constant 0 : i32
      %dma_start3A_334 = tpu.memref_slice %arg3[%dma_start3A_332, %dma_start3A_333] : memref<500004x8xf32, #tpu.memory_space<hbm>> -> memref<500004x8xf32, #tpu.memory_space<hbm>>
      tpu.enqueue_indirect_dma source(%dma_start3A_334 : memref<500004x8xf32, #tpu.memory_space<hbm>>) target(%dma_start3A_328 : memref<512x8xf32, #tpu.memory_space<vmem>>) offsets(%dma_start3A_331 : memref<512xi32, #tpu.memory_space<vmem>>) semaphore(%arg11 : memref<!tpu.dma_semaphore, #tpu.memory_space<semaphore_mem>>)
      %dma_start3A_335 = arith.constant 0 : i32
      %dma_start3A_336 = arith.constant 0 : i32
      %dma_start3A_337 = arith.constant 512 : i32
      %dma_start3A_338 = arith.constant 0 : i32
      %dma_start3A_339 = tpu.memref_slice %arg8[%dma_start3A_336, %dma_start3A_337, %dma_start3A_338] : memref<2x2048x8xf32, #tpu.memory_space<vmem>> -> memref<1x512x8xf32, #tpu.memory_space<vmem>>
      %dma_start3A_340 = tpu.memref_squeeze %dma_start3A_339 : memref<1x512x8xf32, #tpu.memory_space<vmem>> -> memref<512x8xf32, #tpu.memory_space<vmem>>
      %dma_start3A_341 = arith.constant 512 : i32
      %dma_start3A_342 = tpu.memref_slice %arg6[%dma_start3A_335, %dma_start3A_341] : memref<2x2048xi32, #tpu.memory_space<vmem>> -> memref<1x512xi32, #tpu.memory_space<vmem>>
      %dma_start3A_343 = tpu.memref_squeeze %dma_start3A_342 : memref<1x512xi32, #tpu.memory_space<vmem>> -> memref<512xi32, #tpu.memory_space<vmem>>
      %dma_start3A_344 = arith.constant 0 : i32
      %dma_start3A_345 = arith.constant 0 : i32
      %dma_start3A_346 = tpu.memref_slice %arg3[%dma_start3A_344, %dma_start3A_345] : memref<500004x8xf32, #tpu.memory_space<hbm>> -> memref<500004x8xf32, #tpu.memory_space<hbm>>
      tpu.enqueue_indirect_dma source(%dma_start3A_346 : memref<500004x8xf32, #tpu.memory_space<hbm>>) target(%dma_start3A_340 : memref<512x8xf32, #tpu.memory_space<vmem>>) offsets(%dma_start3A_343 : memref<512xi32, #tpu.memory_space<vmem>>) semaphore(%arg11 : memref<!tpu.dma_semaphore, #tpu.memory_space<semaphore_mem>>)
      %dma_start3A_347 = arith.constant 0 : i32
      %dma_start3A_348 = arith.constant 0 : i32
      %dma_start3A_349 = arith.constant 1024 : i32
      %dma_start3A_350 = arith.constant 0 : i32
      %dma_start3A_351 = tpu.memref_slice %arg8[%dma_start3A_348, %dma_start3A_349, %dma_start3A_350] : memref<2x2048x8xf32, #tpu.memory_space<vmem>> -> memref<1x512x8xf32, #tpu.memory_space<vmem>>
      %dma_start3A_352 = tpu.memref_squeeze %dma_start3A_351 : memref<1x512x8xf32, #tpu.memory_space<vmem>> -> memref<512x8xf32, #tpu.memory_space<vmem>>
      %dma_start3A_353 = arith.constant 1024 : i32
      %dma_start3A_354 = tpu.memref_slice %arg6[%dma_start3A_347, %dma_start3A_353] : memref<2x2048xi32, #tpu.memory_space<vmem>> -> memref<1x512xi32, #tpu.memory_space<vmem>>
      %dma_start3A_355 = tpu.memref_squeeze %dma_start3A_354 : memref<1x512xi32, #tpu.memory_space<vmem>> -> memref<512xi32, #tpu.memory_space<vmem>>
      %dma_start3A_356 = arith.constant 0 : i32
      %dma_start3A_357 = arith.constant 0 : i32
      %dma_start3A_358 = tpu.memref_slice %arg3[%dma_start3A_356, %dma_start3A_357] : memref<500004x8xf32, #tpu.memory_space<hbm>> -> memref<500004x8xf32, #tpu.memory_space<hbm>>
      tpu.enqueue_indirect_dma source(%dma_start3A_358 : memref<500004x8xf32, #tpu.memory_space<hbm>>) target(%dma_start3A_352 : memref<512x8xf32, #tpu.memory_space<vmem>>) offsets(%dma_start3A_355 : memref<512xi32, #tpu.memory_space<vmem>>) semaphore(%arg11 : memref<!tpu.dma_semaphore, #tpu.memory_space<semaphore_mem>>)
      %dma_start3A_359 = arith.constant 0 : i32
      %dma_start3A_360 = arith.constant 0 : i32
      %dma_start3A_361 = arith.constant 1536 : i32
      %dma_start3A_362 = arith.constant 0 : i32
      %dma_start3A_363 = tpu.memref_slice %arg8[%dma_start3A_360, %dma_start3A_361, %dma_start3A_362] : memref<2x2048x8xf32, #tpu.memory_space<vmem>> -> memref<1x512x8xf32, #tpu.memory_space<vmem>>
      %dma_start3A_364 = tpu.memref_squeeze %dma_start3A_363 : memref<1x512x8xf32, #tpu.memory_space<vmem>> -> memref<512x8xf32, #tpu.memory_space<vmem>>
      %dma_start3A_365 = arith.constant 1536 : i32
      %dma_start3A_366 = tpu.memref_slice %arg6[%dma_start3A_359, %dma_start3A_365] : memref<2x2048xi32, #tpu.memory_space<vmem>> -> memref<1x512xi32, #tpu.memory_space<vmem>>
      %dma_start3A_367 = tpu.memref_squeeze %dma_start3A_366 : memref<1x512xi32, #tpu.memory_space<vmem>> -> memref<512xi32, #tpu.memory_space<vmem>>
      %dma_start3A_368 = arith.constant 0 : i32
      %dma_start3A_369 = arith.constant 0 : i32
      %dma_start3A_370 = tpu.memref_slice %arg3[%dma_start3A_368, %dma_start3A_369] : memref<500004x8xf32, #tpu.memory_space<hbm>> -> memref<500004x8xf32, #tpu.memory_space<hbm>>
      tpu.enqueue_indirect_dma source(%dma_start3A_370 : memref<500004x8xf32, #tpu.memory_space<hbm>>) target(%dma_start3A_364 : memref<512x8xf32, #tpu.memory_space<vmem>>) offsets(%dma_start3A_367 : memref<512xi32, #tpu.memory_space<vmem>>) semaphore(%arg11 : memref<!tpu.dma_semaphore, #tpu.memory_space<semaphore_mem>>)
      %add3A_371 = arith.constant 1 : i32
      %add3A_372 = arith.addi %add3A_273, %add3A_371 : i32
      %lt3A = arith.constant 64 : i32
      %lt3A_373 = arith.cmpi slt, %add3A_372, %lt3A : i32
      %convert_element_type3A = arith.extui %lt3A_373 : i1 to i32
      %cond3A = arith.constant 0 : i32
      %cond3A_374 = arith.cmpi ne, %convert_element_type3A, %cond3A : i32
      scf.if %cond3A_374 {
        %add3A_492 = arith.constant 1 : i32
        %add3A_493 = arith.addi %add3A_273, %add3A_492 : i32
        %mul3A_494 = arith.constant 2048 : i32
        %mul3A_495 = arith.muli %add3A_493, %mul3A_494 : i32
        %add3A_496 = arith.addi %mul3A_2, %mul3A_495 : i32
        %jit3A_497 = arith.constant 128 : i32
        %div3A_498 = arith.divsi %add3A_496, %jit3A_497 : i32
        %sign3A_499 = arith.constant 0 : i32
        %sign3A_500 = arith.cmpi sgt, %add3A_496, %sign3A_499 : i32
        %sign3A_501 = arith.extui %sign3A_500 : i1 to i32
        %sign3A_502 = arith.constant 0 : i32
        %sign3A_503 = arith.cmpi slt, %add3A_496, %sign3A_502 : i32
        %sign3A_504 = arith.extui %sign3A_503 : i1 to i32
        %sign3A_505 = arith.subi %sign3A_501, %sign3A_504 : i32
        %sign3A_506 = arith.constant 0 : i32
        %sign3A_507 = arith.cmpi sgt, %jit3A_497, %sign3A_506 : i32
        %sign3A_508 = arith.extui %sign3A_507 : i1 to i32
        %sign3A_509 = arith.constant 0 : i32
        %sign3A_510 = arith.cmpi slt, %jit3A_497, %sign3A_509 : i32
        %sign3A_511 = arith.extui %sign3A_510 : i1 to i32
        %sign3A_512 = arith.subi %sign3A_508, %sign3A_511 : i32
        %ne3A_513 = arith.cmpi ne, %sign3A_505, %sign3A_512 : i32
        %rem3A_514 = arith.remsi %add3A_496, %jit3A_497 : i32
        %ne3A_515 = arith.constant 0 : i32
        %ne3A_516 = arith.cmpi ne, %rem3A_514, %ne3A_515 : i32
        %and3A_517 = arith.andi %ne3A_513, %ne3A_516 : i1
        %sub3A_518 = arith.constant 1 : i32
        %sub3A_519 = arith.subi %div3A_498, %sub3A_518 : i32
        %select_n3A_520 = arith.select %and3A_517, %sub3A_519, %div3A_498 : i32
        %dma_start3A_521 = arith.constant 1 : i32
        %dma_start3A_522 = arith.constant 0 : i32
        %dma_start3A_523 = arith.constant 0 : i32
        %dma_start3A_524 = arith.constant 0 : i32
        %dma_start3A_525 = tpu.memref_slice %arg5[%dma_start3A_521, %dma_start3A_522, %dma_start3A_523, %dma_start3A_524] : memref<2x16x4x128xf32, #tpu.memory_space<vmem>> -> memref<1x16x4x128xf32, #tpu.memory_space<vmem>>
        %dma_start3A_526 = tpu.memref_squeeze %dma_start3A_525 : memref<1x16x4x128xf32, #tpu.memory_space<vmem>> -> memref<16x4x128xf32, #tpu.memory_space<vmem>>
        %dma_start3A_527 = arith.constant 0 : i32
        %dma_start3A_528 = arith.constant 0 : i32
        %dma_start3A_529 = tpu.memref_slice %arg2[%select_n3A_520, %dma_start3A_527, %dma_start3A_528] : memref<32768x4x128xf32, #tpu.memory_space<hbm>> -> memref<16x4x128xf32, #tpu.memory_space<hbm>>
        %dma_start3A_530 = arith.constant 0 : i32
        %dma_start3A_531 = arith.constant 0 : i32
        %dma_start3A_532 = arith.constant 0 : i32
        %dma_start3A_533 = tpu.memref_slice %arg5[%dma_start3A_521, %dma_start3A_530, %dma_start3A_531, %dma_start3A_532] : memref<2x16x4x128xf32, #tpu.memory_space<vmem>> -> memref<1x16x4x128xf32, #tpu.memory_space<vmem>>
        %dma_start3A_534 = tpu.memref_squeeze %dma_start3A_533 : memref<1x16x4x128xf32, #tpu.memory_space<vmem>> -> memref<16x4x128xf32, #tpu.memory_space<vmem>>
        %dma_start3A_535 = arith.constant 0 : i32
        %dma_start3A_536 = arith.constant 0 : i32
        %dma_start3A_537 = tpu.memref_slice %arg2[%select_n3A_520, %dma_start3A_535, %dma_start3A_536] : memref<32768x4x128xf32, #tpu.memory_space<hbm>> -> memref<16x4x128xf32, #tpu.memory_space<hbm>>
        tpu.enqueue_dma source(%dma_start3A_537 : memref<16x4x128xf32, #tpu.memory_space<hbm>>) target(%dma_start3A_534 : memref<16x4x128xf32, #tpu.memory_space<vmem>>) target_semaphore(%arg10 : memref<!tpu.dma_semaphore, #tpu.memory_space<semaphore_mem>>)
      } else {
      }
      %gt3A = arith.constant 0 : i32
      %gt3A_375 = arith.cmpi sgt, %add3A_273, %gt3A : i32
      %convert_element_type3A_376 = arith.extui %gt3A_375 : i1 to i32
      %cond3A_377 = arith.constant 0 : i32
      %cond3A_378 = arith.cmpi ne, %convert_element_type3A_376, %cond3A_377 : i32
      scf.if %cond3A_378 {
        %dma_wait3A_492 = arith.constant 1 : i32
        %dma_wait3A_493 = arith.constant 1 : i32
        %dma_wait3A_494 = arith.constant 0 : i32
        %dma_wait3A_495 = arith.constant 0 : i32
        %dma_wait3A_496 = tpu.memref_slice %arg8[%dma_wait3A_493, %dma_wait3A_494, %dma_wait3A_495] : memref<2x2048x8xf32, #tpu.memory_space<vmem>> -> memref<1x512x8xf32, #tpu.memory_space<vmem>>
        %dma_wait3A_497 = tpu.memref_squeeze %dma_wait3A_496 : memref<1x512x8xf32, #tpu.memory_space<vmem>> -> memref<512x8xf32, #tpu.memory_space<vmem>>
        %dma_wait3A_498 = arith.constant 0 : i32
        %dma_wait3A_499 = tpu.memref_slice %arg6[%dma_wait3A_492, %dma_wait3A_498] : memref<2x2048xi32, #tpu.memory_space<vmem>> -> memref<1x512xi32, #tpu.memory_space<vmem>>
        %dma_wait3A_500 = tpu.memref_squeeze %dma_wait3A_499 : memref<1x512xi32, #tpu.memory_space<vmem>> -> memref<512xi32, #tpu.memory_space<vmem>>
        %dma_wait3A_501 = arith.constant 0 : i32
        %dma_wait3A_502 = arith.constant 0 : i32
        %dma_wait3A_503 = tpu.memref_slice %arg3[%dma_wait3A_501, %dma_wait3A_502] : memref<500004x8xf32, #tpu.memory_space<hbm>> -> memref<500004x8xf32, #tpu.memory_space<hbm>>
        tpu.wait_indirect_dma semaphore(%arg12 : memref<!tpu.dma_semaphore, #tpu.memory_space<semaphore_mem>>) src(%dma_wait3A_503 : memref<500004x8xf32, #tpu.memory_space<hbm>>) dst(%dma_wait3A_497 : memref<512x8xf32, #tpu.memory_space<vmem>>)
        %dma_wait3A_504 = arith.constant 1 : i32
        %dma_wait3A_505 = arith.constant 1 : i32
        %dma_wait3A_506 = arith.constant 512 : i32
        %dma_wait3A_507 = arith.constant 0 : i32
        %dma_wait3A_508 = tpu.memref_slice %arg8[%dma_wait3A_505, %dma_wait3A_506, %dma_wait3A_507] : memref<2x2048x8xf32, #tpu.memory_space<vmem>> -> memref<1x512x8xf32, #tpu.memory_space<vmem>>
        %dma_wait3A_509 = tpu.memref_squeeze %dma_wait3A_508 : memref<1x512x8xf32, #tpu.memory_space<vmem>> -> memref<512x8xf32, #tpu.memory_space<vmem>>
        %dma_wait3A_510 = arith.constant 512 : i32
        %dma_wait3A_511 = tpu.memref_slice %arg6[%dma_wait3A_504, %dma_wait3A_510] : memref<2x2048xi32, #tpu.memory_space<vmem>> -> memref<1x512xi32, #tpu.memory_space<vmem>>
        %dma_wait3A_512 = tpu.memref_squeeze %dma_wait3A_511 : memref<1x512xi32, #tpu.memory_space<vmem>> -> memref<512xi32, #tpu.memory_space<vmem>>
        %dma_wait3A_513 = arith.constant 0 : i32
        %dma_wait3A_514 = arith.constant 0 : i32
        %dma_wait3A_515 = tpu.memref_slice %arg3[%dma_wait3A_513, %dma_wait3A_514] : memref<500004x8xf32, #tpu.memory_space<hbm>> -> memref<500004x8xf32, #tpu.memory_space<hbm>>
        tpu.wait_indirect_dma semaphore(%arg12 : memref<!tpu.dma_semaphore, #tpu.memory_space<semaphore_mem>>) src(%dma_wait3A_515 : memref<500004x8xf32, #tpu.memory_space<hbm>>) dst(%dma_wait3A_509 : memref<512x8xf32, #tpu.memory_space<vmem>>)
        %dma_wait3A_516 = arith.constant 1 : i32
        %dma_wait3A_517 = arith.constant 1 : i32
        %dma_wait3A_518 = arith.constant 1024 : i32
        %dma_wait3A_519 = arith.constant 0 : i32
        %dma_wait3A_520 = tpu.memref_slice %arg8[%dma_wait3A_517, %dma_wait3A_518, %dma_wait3A_519] : memref<2x2048x8xf32, #tpu.memory_space<vmem>> -> memref<1x512x8xf32, #tpu.memory_space<vmem>>
        %dma_wait3A_521 = tpu.memref_squeeze %dma_wait3A_520 : memref<1x512x8xf32, #tpu.memory_space<vmem>> -> memref<512x8xf32, #tpu.memory_space<vmem>>
        %dma_wait3A_522 = arith.constant 1024 : i32
        %dma_wait3A_523 = tpu.memref_slice %arg6[%dma_wait3A_516, %dma_wait3A_522] : memref<2x2048xi32, #tpu.memory_space<vmem>> -> memref<1x512xi32, #tpu.memory_space<vmem>>
        %dma_wait3A_524 = tpu.memref_squeeze %dma_wait3A_523 : memref<1x512xi32, #tpu.memory_space<vmem>> -> memref<512xi32, #tpu.memory_space<vmem>>
        %dma_wait3A_525 = arith.constant 0 : i32
        %dma_wait3A_526 = arith.constant 0 : i32
        %dma_wait3A_527 = tpu.memref_slice %arg3[%dma_wait3A_525, %dma_wait3A_526] : memref<500004x8xf32, #tpu.memory_space<hbm>> -> memref<500004x8xf32, #tpu.memory_space<hbm>>
        tpu.wait_indirect_dma semaphore(%arg12 : memref<!tpu.dma_semaphore, #tpu.memory_space<semaphore_mem>>) src(%dma_wait3A_527 : memref<500004x8xf32, #tpu.memory_space<hbm>>) dst(%dma_wait3A_521 : memref<512x8xf32, #tpu.memory_space<vmem>>)
        %dma_wait3A_528 = arith.constant 1 : i32
        %dma_wait3A_529 = arith.constant 1 : i32
        %dma_wait3A_530 = arith.constant 1536 : i32
        %dma_wait3A_531 = arith.constant 0 : i32
        %dma_wait3A_532 = tpu.memref_slice %arg8[%dma_wait3A_529, %dma_wait3A_530, %dma_wait3A_531] : memref<2x2048x8xf32, #tpu.memory_space<vmem>> -> memref<1x512x8xf32, #tpu.memory_space<vmem>>
        %dma_wait3A_533 = tpu.memref_squeeze %dma_wait3A_532 : memref<1x512x8xf32, #tpu.memory_space<vmem>> -> memref<512x8xf32, #tpu.memory_space<vmem>>
        %dma_wait3A_534 = arith.constant 1536 : i32
        %dma_wait3A_535 = tpu.memref_slice %arg6[%dma_wait3A_528, %dma_wait3A_534] : memref<2x2048xi32, #tpu.memory_space<vmem>> -> memref<1x512xi32, #tpu.memory_space<vmem>>
        %dma_wait3A_536 = tpu.memref_squeeze %dma_wait3A_535 : memref<1x512xi32, #tpu.memory_space<vmem>> -> memref<512xi32, #tpu.memory_space<vmem>>
        %dma_wait3A_537 = arith.constant 0 : i32
        %dma_wait3A_538 = arith.constant 0 : i32
        %dma_wait3A_539 = tpu.memref_slice %arg3[%dma_wait3A_537, %dma_wait3A_538] : memref<500004x8xf32, #tpu.memory_space<hbm>> -> memref<500004x8xf32, #tpu.memory_space<hbm>>
        tpu.wait_indirect_dma semaphore(%arg12 : memref<!tpu.dma_semaphore, #tpu.memory_space<semaphore_mem>>) src(%dma_wait3A_539 : memref<500004x8xf32, #tpu.memory_space<hbm>>) dst(%dma_wait3A_533 : memref<512x8xf32, #tpu.memory_space<vmem>>)
        %ge3A = arith.constant 3 : i32
        %ge3A_540 = arith.cmpi sge, %add3A_273, %ge3A : i32
        %convert_element_type3A_541 = arith.extui %ge3A_540 : i1 to i32
        %cond3A_542 = arith.constant 0 : i32
        %cond3A_543 = arith.cmpi ne, %convert_element_type3A_541, %cond3A_542 : i32
        scf.if %cond3A_543 {
          %sub3A_595 = arith.constant 3 : i32
          %sub3A_596 = arith.subi %add3A_273, %sub3A_595 : i32
          %mul3A_597 = arith.constant 2048 : i32
          %mul3A_598 = arith.muli %sub3A_596, %mul3A_597 : i32
          %add3A_599 = arith.addi %mul3A_2, %mul3A_598 : i32
          %jit3A_600 = arith.constant 128 : i32
          %div3A_601 = arith.divsi %add3A_599, %jit3A_600 : i32
          %sign3A_602 = arith.constant 0 : i32
          %sign3A_603 = arith.cmpi sgt, %add3A_599, %sign3A_602 : i32
          %sign3A_604 = arith.extui %sign3A_603 : i1 to i32
          %sign3A_605 = arith.constant 0 : i32
          %sign3A_606 = arith.cmpi slt, %add3A_599, %sign3A_605 : i32
          %sign3A_607 = arith.extui %sign3A_606 : i1 to i32
          %sign3A_608 = arith.subi %sign3A_604, %sign3A_607 : i32
          %sign3A_609 = arith.constant 0 : i32
          %sign3A_610 = arith.cmpi sgt, %jit3A_600, %sign3A_609 : i32
          %sign3A_611 = arith.extui %sign3A_610 : i1 to i32
          %sign3A_612 = arith.constant 0 : i32
          %sign3A_613 = arith.cmpi slt, %jit3A_600, %sign3A_612 : i32
          %sign3A_614 = arith.extui %sign3A_613 : i1 to i32
          %sign3A_615 = arith.subi %sign3A_611, %sign3A_614 : i32
          %ne3A_616 = arith.cmpi ne, %sign3A_608, %sign3A_615 : i32
          %rem3A_617 = arith.remsi %add3A_599, %jit3A_600 : i32
          %ne3A_618 = arith.constant 0 : i32
          %ne3A_619 = arith.cmpi ne, %rem3A_617, %ne3A_618 : i32
          %and3A_620 = arith.andi %ne3A_616, %ne3A_619 : i1
          %sub3A_621 = arith.constant 1 : i32
          %sub3A_622 = arith.subi %div3A_601, %sub3A_621 : i32
          %select_n3A_623 = arith.select %and3A_620, %sub3A_622, %div3A_601 : i32
          %dma_wait3A_624 = arith.constant 1 : i32
          %dma_wait3A_625 = arith.constant 0 : i32
          %dma_wait3A_626 = arith.constant 0 : i32
          %dma_wait3A_627 = arith.constant 0 : i32
          %dma_wait3A_628 = tpu.memref_slice %arg9[%dma_wait3A_624, %dma_wait3A_625, %dma_wait3A_626, %dma_wait3A_627] : memref<2x16x4x128xf32, #tpu.memory_space<vmem>> -> memref<1x16x4x128xf32, #tpu.memory_space<vmem>>
          %dma_wait3A_629 = tpu.memref_squeeze %dma_wait3A_628 : memref<1x16x4x128xf32, #tpu.memory_space<vmem>> -> memref<16x4x128xf32, #tpu.memory_space<vmem>>
          %dma_wait3A_630 = arith.constant 0 : i32
          %dma_wait3A_631 = arith.constant 0 : i32
          %dma_wait3A_632 = tpu.memref_slice %arg4[%select_n3A_623, %dma_wait3A_630, %dma_wait3A_631] : memref<32768x4x128xf32, #tpu.memory_space<hbm>> -> memref<16x4x128xf32, #tpu.memory_space<hbm>>
          %dma_wait3A_633 = arith.constant 0 : i32
          %dma_wait3A_634 = arith.constant 0 : i32
          %dma_wait3A_635 = tpu.memref_slice %arg4[%select_n3A_623, %dma_wait3A_633, %dma_wait3A_634] : memref<32768x4x128xf32, #tpu.memory_space<hbm>> -> memref<16x4x128xf32, #tpu.memory_space<hbm>>
          %dma_wait3A_636 = arith.constant 0 : i32
          %dma_wait3A_637 = arith.constant 0 : i32
          %dma_wait3A_638 = arith.constant 0 : i32
          %dma_wait3A_639 = tpu.memref_slice %arg9[%dma_wait3A_624, %dma_wait3A_636, %dma_wait3A_637, %dma_wait3A_638] : memref<2x16x4x128xf32, #tpu.memory_space<vmem>> -> memref<1x16x4x128xf32, #tpu.memory_space<vmem>>
          %dma_wait3A_640 = tpu.memref_squeeze %dma_wait3A_639 : memref<1x16x4x128xf32, #tpu.memory_space<vmem>> -> memref<16x4x128xf32, #tpu.memory_space<vmem>>
          tpu.wait_dma2 semaphore(%arg14 : memref<!tpu.dma_semaphore, #tpu.memory_space<semaphore_mem>>) src(%dma_wait3A_640 : memref<16x4x128xf32, #tpu.memory_space<vmem>>) dst(%dma_wait3A_635 : memref<16x4x128xf32, #tpu.memory_space<hbm>>)
        } else {
        }
        %scan3A_544 = arith.constant 0 : i32
        %scan3A_545 = arith.constant 128 : i32
        %scan3A_546 = arith.addi %scan3A_544, %scan3A_545 : i32
        %scan3A_547 = arith.constant 1 : i32
        scf.for %scan3A_595 = %scan3A_544 to %scan3A_546 step %scan3A_547  : i32 {
          %mul3A_596 = arith.constant 1 : i32
          %mul3A_597 = arith.muli %scan3A_595, %mul3A_596 : i32
          %add3A_598 = arith.constant 0 : i32
          %add3A_599 = arith.addi %add3A_598, %mul3A_597 : i32
          %mul3A_600 = arith.constant 16 : i32
          %mul3A_601 = arith.muli %add3A_599, %mul3A_600 : i32
          %mul3A_602 = arith.constant 16 : i32
          %mul3A_603 = arith.muli %add3A_599, %mul3A_602 : i32
          %add3A_604 = vector.broadcast %mul3A_603 : i32 to vector<16xi32>
          %add3A_605 = arith.addi %iota3A, %add3A_604 : vector<16xi32>
          %get3A = arith.constant 1 : i32
          %get3A_606 = arith.index_cast %get3A : i32 to index
          %get3A_607 = arith.index_cast %mul3A_601 : i32 to index
          %get3A_608 = tpu.vector_load %arg7[%get3A_606, %get3A_607] {strides = array<i32>} : memref<2x2048xi32, #tpu.memory_space<vmem>>, vector<16xi32>,
          %jit3A_609 = arith.constant 8 : i32
          %div3A_610 = arith.divsi %add3A_599, %jit3A_609 : i32
          %sign3A_611 = arith.constant 0 : i32
          %sign3A_612 = arith.cmpi sgt, %add3A_599, %sign3A_611 : i32
          %sign3A_613 = arith.extui %sign3A_612 : i1 to i32
          %sign3A_614 = arith.constant 0 : i32
          %sign3A_615 = arith.cmpi slt, %add3A_599, %sign3A_614 : i32
          %sign3A_616 = arith.extui %sign3A_615 : i1 to i32
          %sign3A_617 = arith.subi %sign3A_613, %sign3A_616 : i32
          %sign3A_618 = arith.constant 0 : i32
          %sign3A_619 = arith.cmpi sgt, %jit3A_609, %sign3A_618 : i32
          %sign3A_620 = arith.extui %sign3A_619 : i1 to i32
          %sign3A_621 = arith.constant 0 : i32
          %sign3A_622 = arith.cmpi slt, %jit3A_609, %sign3A_621 : i32
          %sign3A_623 = arith.extui %sign3A_622 : i1 to i32
          %sign3A_624 = arith.subi %sign3A_620, %sign3A_623 : i32
          %ne3A_625 = arith.cmpi ne, %sign3A_617, %sign3A_624 : i32
          %rem3A_626 = arith.remsi %add3A_599, %jit3A_609 : i32
          %ne3A_627 = arith.constant 0 : i32
          %ne3A_628 = arith.cmpi ne, %rem3A_626, %ne3A_627 : i32
          %and3A_629 = arith.andi %ne3A_625, %ne3A_628 : i1
          %sub3A_630 = arith.constant 1 : i32
          %sub3A_631 = arith.subi %div3A_610, %sub3A_630 : i32
          %select_n3A_632 = arith.select %and3A_629, %sub3A_631, %div3A_610 : i32
          %jit3A_633 = arith.constant 8 : i32
          %eq3A = arith.constant 0 : i32
          %eq3A_634 = arith.cmpi eq, %jit3A_633, %eq3A : i32
          %jit3A_635 = arith.constant 1 : i32
          %select_n3A_636 = arith.select %eq3A_634, %jit3A_635, %jit3A_633 : i32
          %rem3A_637 = arith.remsi %add3A_599, %select_n3A_636 : i32
          %ne3A_638 = arith.constant 0 : i32
          %ne3A_639 = arith.cmpi ne, %rem3A_637, %ne3A_638 : i32
          %lt3A_640 = arith.constant 0 : i32
          %lt3A_641 = arith.cmpi slt, %rem3A_637, %lt3A_640 : i32
          %lt3A_642 = arith.constant 0 : i32
          %lt3A_643 = arith.cmpi slt, %select_n3A_636, %lt3A_642 : i32
          %ne3A_644 = arith.xori %lt3A_641, %lt3A_643 : i1
          %and3A_645 = arith.andi %ne3A_644, %ne3A_639 : i1
          %add3A_646 = arith.addi %rem3A_637, %select_n3A_636 : i32
          %select_n3A_647 = arith.select %and3A_645, %add3A_646, %rem3A_637 : i32
          %mul3A_648 = arith.constant 16 : i32
          %mul3A_649 = arith.muli %select_n3A_647, %mul3A_648 : i32
          %add3A_650 = arith.constant 0 : i32
          %add3A_651 = vector.broadcast %add3A_650 : i32 to vector<16xi32>
          %add3A_652 = arith.addi %get3A_608, %add3A_651 : vector<16xi32>
          %gather3A = arith.constant 1 : i32
          %gather3A_653 = arith.constant 0 : i32
          %gather3A_654 = arith.constant 0 : i32
          %gather3A_655 = tpu.memref_slice %arg8[%gather3A, %gather3A_653, %gather3A_654] : memref<2x2048x8xf32, #tpu.memory_space<vmem>> -> memref<1x2048x8xf32, #tpu.memory_space<vmem>>
          %gather3A_656 = tpu.memref_squeeze %gather3A_655 : memref<1x2048x8xf32, #tpu.memory_space<vmem>> -> memref<2048x8xf32, #tpu.memory_space<vmem>>
          %gather3A_657 = tpu.vector_load_idx %gather3A_656[%add3A_605, %add3A_652] : memref<2048x8xf32, #tpu.memory_space<vmem>>[vector<16xi32>, vector<16xi32>], vector<16xf32>,
          %neg3A = arith.constant 0.000000e+00 : f32
          %neg3A_658 = vector.broadcast %neg3A : f32 to vector<16xf32>
          %neg3A_659 = arith.subf %neg3A_658, %gather3A_657 : vector<16xf32>
          %exp3A = math.exp %neg3A_659 : vector<16xf32>
          %add3A_660 = arith.constant 1.000000e+00 : f32
          %add3A_661 = vector.broadcast %add3A_660 : f32 to vector<16xf32>
          %add3A_662 = arith.addf %add3A_661, %exp3A : vector<16xf32>
          %div3A_663 = arith.constant 1.000000e+00 : f32
          %div3A_664 = vector.broadcast %div3A_663 : f32 to vector<16xf32>
          %div3A_665 = arith.divf %div3A_664, %add3A_662 : vector<16xf32>
          %swap3A = arith.constant 1 : i32
          %swap3A_666 = arith.constant 0 : i32
          %swap3A_667 = arith.index_cast %swap3A : i32 to index
          %swap3A_668 = arith.index_cast %select_n3A_632 : i32 to index
          %swap3A_669 = arith.index_cast %swap3A_666 : i32 to index
          %swap3A_670 = arith.index_cast %mul3A_649 : i32 to index
          %swap3A_671 = tpu.vector_load %arg9[%swap3A_667, %swap3A_668, %swap3A_669, %swap3A_670] {strides = array<i32>} : memref<2x16x4x128xf32, #tpu.memory_space<vmem>>, vector<16xf32>,
          tpu.vector_store %arg9[%swap3A_667, %swap3A_668, %swap3A_669, %swap3A_670], %div3A_665 {strides = array<i32>} : memref<2x16x4x128xf32, #tpu.memory_space<vmem>>, vector<16xf32>,
          %add3A_672 = arith.constant 1 : i32
          %add3A_673 = vector.broadcast %add3A_672 : i32 to vector<16xi32>
          %add3A_674 = arith.addi %get3A_608, %add3A_673 : vector<16xi32>
          %gather3A_675 = arith.constant 1 : i32
          %gather3A_676 = arith.constant 0 : i32
          %gather3A_677 = arith.constant 0 : i32
          %gather3A_678 = tpu.memref_slice %arg8[%gather3A_675, %gather3A_676, %gather3A_677] : memref<2x2048x8xf32, #tpu.memory_space<vmem>> -> memref<1x2048x8xf32, #tpu.memory_space<vmem>>
          %gather3A_679 = tpu.memref_squeeze %gather3A_678 : memref<1x2048x8xf32, #tpu.memory_space<vmem>> -> memref<2048x8xf32, #tpu.memory_space<vmem>>
          %gather3A_680 = tpu.vector_load_idx %gather3A_679[%add3A_605, %add3A_674] : memref<2048x8xf32, #tpu.memory_space<vmem>>[vector<16xi32>, vector<16xi32>], vector<16xf32>,
          %neg3A_681 = arith.constant 0.000000e+00 : f32
          %neg3A_682 = vector.broadcast %neg3A_681 : f32 to vector<16xf32>
          %neg3A_683 = arith.subf %neg3A_682, %gather3A_680 : vector<16xf32>
          %exp3A_684 = math.exp %neg3A_683 : vector<16xf32>
          %add3A_685 = arith.constant 1.000000e+00 : f32
          %add3A_686 = vector.broadcast %add3A_685 : f32 to vector<16xf32>
          %add3A_687 = arith.addf %add3A_686, %exp3A_684 : vector<16xf32>
          %div3A_688 = arith.constant 1.000000e+00 : f32
          %div3A_689 = vector.broadcast %div3A_688 : f32 to vector<16xf32>
          %div3A_690 = arith.divf %div3A_689, %add3A_687 : vector<16xf32>
          %swap3A_691 = arith.constant 1 : i32
          %swap3A_692 = arith.constant 1 : i32
          %swap3A_693 = arith.index_cast %swap3A_691 : i32 to index
          %swap3A_694 = arith.index_cast %select_n3A_632 : i32 to index
          %swap3A_695 = arith.index_cast %swap3A_692 : i32 to index
          %swap3A_696 = arith.index_cast %mul3A_649 : i32 to index
          %swap3A_697 = tpu.vector_load %arg9[%swap3A_693, %swap3A_694, %swap3A_695, %swap3A_696] {strides = array<i32>} : memref<2x16x4x128xf32, #tpu.memory_space<vmem>>, vector<16xf32>,
          tpu.vector_store %arg9[%swap3A_693, %swap3A_694, %swap3A_695, %swap3A_696], %div3A_690 {strides = array<i32>} : memref<2x16x4x128xf32, #tpu.memory_space<vmem>>, vector<16xf32>,
          %add3A_698 = arith.constant 2 : i32
          %add3A_699 = vector.broadcast %add3A_698 : i32 to vector<16xi32>
          %add3A_700 = arith.addi %get3A_608, %add3A_699 : vector<16xi32>
          %gather3A_701 = arith.constant 1 : i32
          %gather3A_702 = arith.constant 0 : i32
          %gather3A_703 = arith.constant 0 : i32
          %gather3A_704 = tpu.memref_slice %arg8[%gather3A_701, %gather3A_702, %gather3A_703] : memref<2x2048x8xf32, #tpu.memory_space<vmem>> -> memref<1x2048x8xf32, #tpu.memory_space<vmem>>
          %gather3A_705 = tpu.memref_squeeze %gather3A_704 : memref<1x2048x8xf32, #tpu.memory_space<vmem>> -> memref<2048x8xf32, #tpu.memory_space<vmem>>
          %gather3A_706 = tpu.vector_load_idx %gather3A_705[%add3A_605, %add3A_700] : memref<2048x8xf32, #tpu.memory_space<vmem>>[vector<16xi32>, vector<16xi32>], vector<16xf32>,
          %neg3A_707 = arith.constant 0.000000e+00 : f32
          %neg3A_708 = vector.broadcast %neg3A_707 : f32 to vector<16xf32>
          %neg3A_709 = arith.subf %neg3A_708, %gather3A_706 : vector<16xf32>
          %exp3A_710 = math.exp %neg3A_709 : vector<16xf32>
          %add3A_711 = arith.constant 1.000000e+00 : f32
          %add3A_712 = vector.broadcast %add3A_711 : f32 to vector<16xf32>
          %add3A_713 = arith.addf %add3A_712, %exp3A_710 : vector<16xf32>
          %div3A_714 = arith.constant 1.000000e+00 : f32
          %div3A_715 = vector.broadcast %div3A_714 : f32 to vector<16xf32>
          %div3A_716 = arith.divf %div3A_715, %add3A_713 : vector<16xf32>
          %swap3A_717 = arith.constant 1 : i32
          %swap3A_718 = arith.constant 2 : i32
          %swap3A_719 = arith.index_cast %swap3A_717 : i32 to index
          %swap3A_720 = arith.index_cast %select_n3A_632 : i32 to index
          %swap3A_721 = arith.index_cast %swap3A_718 : i32 to index
          %swap3A_722 = arith.index_cast %mul3A_649 : i32 to index
          %swap3A_723 = tpu.vector_load %arg9[%swap3A_719, %swap3A_720, %swap3A_721, %swap3A_722] {strides = array<i32>} : memref<2x16x4x128xf32, #tpu.memory_space<vmem>>, vector<16xf32>,
          tpu.vector_store %arg9[%swap3A_719, %swap3A_720, %swap3A_721, %swap3A_722], %div3A_716 {strides = array<i32>} : memref<2x16x4x128xf32, #tpu.memory_space<vmem>>, vector<16xf32>,
          %add3A_724 = arith.constant 3 : i32
          %add3A_725 = vector.broadcast %add3A_724 : i32 to vector<16xi32>
          %add3A_726 = arith.addi %get3A_608, %add3A_725 : vector<16xi32>
          %gather3A_727 = arith.constant 1 : i32
          %gather3A_728 = arith.constant 0 : i32
          %gather3A_729 = arith.constant 0 : i32
          %gather3A_730 = tpu.memref_slice %arg8[%gather3A_727, %gather3A_728, %gather3A_729] : memref<2x2048x8xf32, #tpu.memory_space<vmem>> -> memref<1x2048x8xf32, #tpu.memory_space<vmem>>
          %gather3A_731 = tpu.memref_squeeze %gather3A_730 : memref<1x2048x8xf32, #tpu.memory_space<vmem>> -> memref<2048x8xf32, #tpu.memory_space<vmem>>
          %gather3A_732 = tpu.vector_load_idx %gather3A_731[%add3A_605, %add3A_726] : memref<2048x8xf32, #tpu.memory_space<vmem>>[vector<16xi32>, vector<16xi32>], vector<16xf32>,
          %max3A = arith.constant 0.000000e+00 : f32
          %max3A_733 = vector.broadcast %max3A : f32 to vector<16xf32>
          %max3A_734 = arith.maximumf %gather3A_732, %max3A_733 : vector<16xf32>
          %swap3A_735 = arith.constant 1 : i32
          %swap3A_736 = arith.constant 3 : i32
          %swap3A_737 = arith.index_cast %swap3A_735 : i32 to index
          %swap3A_738 = arith.index_cast %select_n3A_632 : i32 to index
          %swap3A_739 = arith.index_cast %swap3A_736 : i32 to index
          %swap3A_740 = arith.index_cast %mul3A_649 : i32 to index
          %swap3A_741 = tpu.vector_load %arg9[%swap3A_737, %swap3A_738, %swap3A_739, %swap3A_740] {strides = array<i32>} : memref<2x16x4x128xf32, #tpu.memory_space<vmem>>, vector<16xf32>,
          tpu.vector_store %arg9[%swap3A_737, %swap3A_738, %swap3A_739, %swap3A_740], %max3A_734 {strides = array<i32>} : memref<2x16x4x128xf32, #tpu.memory_space<vmem>>, vector<16xf32>,
        }
        %scan3A_548 = arith.constant 128 : i32
        %sub3A_549 = arith.constant 1 : i32
        %sub3A_550 = arith.subi %add3A_273, %sub3A_549 : i32
        %mul3A_551 = arith.constant 2048 : i32
        %mul3A_552 = arith.muli %sub3A_550, %mul3A_551 : i32
        %add3A_553 = arith.addi %mul3A_2, %mul3A_552 : i32
        %jit3A_554 = arith.constant 128 : i32
        %div3A_555 = arith.divsi %add3A_553, %jit3A_554 : i32
        %sign3A_556 = arith.constant 0 : i32
        %sign3A_557 = arith.cmpi sgt, %add3A_553, %sign3A_556 : i32
        %sign3A_558 = arith.extui %sign3A_557 : i1 to i32
        %sign3A_559 = arith.constant 0 : i32
        %sign3A_560 = arith.cmpi slt, %add3A_553, %sign3A_559 : i32
        %sign3A_561 = arith.extui %sign3A_560 : i1 to i32
        %sign3A_562 = arith.subi %sign3A_558, %sign3A_561 : i32
        %sign3A_563 = arith.constant 0 : i32
        %sign3A_564 = arith.cmpi sgt, %jit3A_554, %sign3A_563 : i32
        %sign3A_565 = arith.extui %sign3A_564 : i1 to i32
        %sign3A_566 = arith.constant 0 : i32
        %sign3A_567 = arith.cmpi slt, %jit3A_554, %sign3A_566 : i32
        %sign3A_568 = arith.extui %sign3A_567 : i1 to i32
        %sign3A_569 = arith.subi %sign3A_565, %sign3A_568 : i32
        %ne3A_570 = arith.cmpi ne, %sign3A_562, %sign3A_569 : i32
        %rem3A_571 = arith.remsi %add3A_553, %jit3A_554 : i32
        %ne3A_572 = arith.constant 0 : i32
        %ne3A_573 = arith.cmpi ne, %rem3A_571, %ne3A_572 : i32
        %and3A_574 = arith.andi %ne3A_570, %ne3A_573 : i1
        %sub3A_575 = arith.constant 1 : i32
        %sub3A_576 = arith.subi %div3A_555, %sub3A_575 : i32
        %select_n3A_577 = arith.select %and3A_574, %sub3A_576, %div3A_555 : i32
        %dma_start3A_578 = arith.constant 1 : i32
        %dma_start3A_579 = arith.constant 0 : i32
        %dma_start3A_580 = arith.constant 0 : i32
        %dma_start3A_581 = arith.constant 0 : i32
        %dma_start3A_582 = tpu.memref_slice %arg9[%dma_start3A_578, %dma_start3A_579, %dma_start3A_580, %dma_start3A_581] : memref<2x16x4x128xf32, #tpu.memory_space<vmem>> -> memref<1x16x4x128xf32, #tpu.memory_space<vmem>>
        %dma_start3A_583 = tpu.memref_squeeze %dma_start3A_582 : memref<1x16x4x128xf32, #tpu.memory_space<vmem>> -> memref<16x4x128xf32, #tpu.memory_space<vmem>>
        %dma_start3A_584 = arith.constant 0 : i32
        %dma_start3A_585 = arith.constant 0 : i32
        %dma_start3A_586 = tpu.memref_slice %arg4[%select_n3A_577, %dma_start3A_584, %dma_start3A_585] : memref<32768x4x128xf32, #tpu.memory_space<hbm>> -> memref<16x4x128xf32, #tpu.memory_space<hbm>>
        %dma_start3A_587 = arith.constant 0 : i32
        %dma_start3A_588 = arith.constant 0 : i32
        %dma_start3A_589 = tpu.memref_slice %arg4[%select_n3A_577, %dma_start3A_587, %dma_start3A_588] : memref<32768x4x128xf32, #tpu.memory_space<hbm>> -> memref<16x4x128xf32, #tpu.memory_space<hbm>>
        %dma_start3A_590 = arith.constant 0 : i32
        %dma_start3A_591 = arith.constant 0 : i32
        %dma_start3A_592 = arith.constant 0 : i32
        %dma_start3A_593 = tpu.memref_slice %arg9[%dma_start3A_578, %dma_start3A_590, %dma_start3A_591, %dma_start3A_592] : memref<2x16x4x128xf32, #tpu.memory_space<vmem>> -> memref<1x16x4x128xf32, #tpu.memory_space<vmem>>
        %dma_start3A_594 = tpu.memref_squeeze %dma_start3A_593 : memref<1x16x4x128xf32, #tpu.memory_space<vmem>> -> memref<16x4x128xf32, #tpu.memory_space<vmem>>
        tpu.enqueue_dma source(%dma_start3A_594 : memref<16x4x128xf32, #tpu.memory_space<vmem>>) target(%dma_start3A_589 : memref<16x4x128xf32, #tpu.memory_space<hbm>>) target_semaphore(%arg14 : memref<!tpu.dma_semaphore, #tpu.memory_space<semaphore_mem>>)
      } else {
      }
      %mul3A_379 = arith.constant 2 : i32
      %mul3A_380 = arith.muli %add3A_269, %mul3A_379 : i32
      %add3A_381 = arith.constant 1 : i32
      %add3A_382 = arith.addi %mul3A_380, %add3A_381 : i32
      %mul3A_383 = arith.constant 2048 : i32
      %mul3A_384 = arith.muli %add3A_382, %mul3A_383 : i32
      %add3A_385 = arith.addi %mul3A_2, %mul3A_384 : i32
      %jit3A_386 = arith.constant 128 : i32
      %div3A_387 = arith.divsi %add3A_385, %jit3A_386 : i32
      %sign3A_388 = arith.constant 0 : i32
      %sign3A_389 = arith.cmpi sgt, %add3A_385, %sign3A_388 : i32
      %sign3A_390 = arith.extui %sign3A_389 : i1 to i32
      %sign3A_391 = arith.constant 0 : i32
      %sign3A_392 = arith.cmpi slt, %add3A_385, %sign3A_391 : i32
      %sign3A_393 = arith.extui %sign3A_392 : i1 to i32
      %sign3A_394 = arith.subi %sign3A_390, %sign3A_393 : i32
      %sign3A_395 = arith.constant 0 : i32
      %sign3A_396 = arith.cmpi sgt, %jit3A_386, %sign3A_395 : i32
      %sign3A_397 = arith.extui %sign3A_396 : i1 to i32
      %sign3A_398 = arith.constant 0 : i32
      %sign3A_399 = arith.cmpi slt, %jit3A_386, %sign3A_398 : i32
      %sign3A_400 = arith.extui %sign3A_399 : i1 to i32
      %sign3A_401 = arith.subi %sign3A_397, %sign3A_400 : i32
      %ne3A_402 = arith.cmpi ne, %sign3A_394, %sign3A_401 : i32
      %rem3A_403 = arith.remsi %add3A_385, %jit3A_386 : i32
      %ne3A_404 = arith.constant 0 : i32
      %ne3A_405 = arith.cmpi ne, %rem3A_403, %ne3A_404 : i32
      %and3A_406 = arith.andi %ne3A_402, %ne3A_405 : i1
      %sub3A_407 = arith.constant 1 : i32
      %sub3A_408 = arith.subi %div3A_387, %sub3A_407 : i32
      %select_n3A_409 = arith.select %and3A_406, %sub3A_408, %div3A_387 : i32
      %dma_wait3A_410 = arith.constant 1 : i32
      %dma_wait3A_411 = arith.constant 0 : i32
      %dma_wait3A_412 = arith.constant 0 : i32
      %dma_wait3A_413 = arith.constant 0 : i32
      %dma_wait3A_414 = tpu.memref_slice %arg5[%dma_wait3A_410, %dma_wait3A_411, %dma_wait3A_412, %dma_wait3A_413] : memref<2x16x4x128xf32, #tpu.memory_space<vmem>> -> memref<1x16x4x128xf32, #tpu.memory_space<vmem>>
      %dma_wait3A_415 = tpu.memref_squeeze %dma_wait3A_414 : memref<1x16x4x128xf32, #tpu.memory_space<vmem>> -> memref<16x4x128xf32, #tpu.memory_space<vmem>>
      %dma_wait3A_416 = arith.constant 0 : i32
      %dma_wait3A_417 = arith.constant 0 : i32
      %dma_wait3A_418 = tpu.memref_slice %arg2[%select_n3A_409, %dma_wait3A_416, %dma_wait3A_417] : memref<32768x4x128xf32, #tpu.memory_space<hbm>> -> memref<16x4x128xf32, #tpu.memory_space<hbm>>
      %dma_wait3A_419 = arith.constant 0 : i32
      %dma_wait3A_420 = arith.constant 0 : i32
      %dma_wait3A_421 = arith.constant 0 : i32
      %dma_wait3A_422 = tpu.memref_slice %arg5[%dma_wait3A_410, %dma_wait3A_419, %dma_wait3A_420, %dma_wait3A_421] : memref<2x16x4x128xf32, #tpu.memory_space<vmem>> -> memref<1x16x4x128xf32, #tpu.memory_space<vmem>>
      %dma_wait3A_423 = tpu.memref_squeeze %dma_wait3A_422 : memref<1x16x4x128xf32, #tpu.memory_space<vmem>> -> memref<16x4x128xf32, #tpu.memory_space<vmem>>
      %dma_wait3A_424 = arith.constant 0 : i32
      %dma_wait3A_425 = arith.constant 0 : i32
      %dma_wait3A_426 = tpu.memref_slice %arg2[%select_n3A_409, %dma_wait3A_424, %dma_wait3A_425] : memref<32768x4x128xf32, #tpu.memory_space<hbm>> -> memref<16x4x128xf32, #tpu.memory_space<hbm>>
      tpu.wait_dma2 semaphore(%arg10 : memref<!tpu.dma_semaphore, #tpu.memory_space<semaphore_mem>>) src(%dma_wait3A_426 : memref<16x4x128xf32, #tpu.memory_space<hbm>>) dst(%dma_wait3A_423 : memref<16x4x128xf32, #tpu.memory_space<vmem>>)
      %scan3A_427 = arith.constant 0 : i32
      %scan3A_428 = arith.constant 128 : i32
      %scan3A_429 = arith.addi %scan3A_427, %scan3A_428 : i32
      %scan3A_430 = arith.constant 1 : i32
      scf.for %scan3A_492 = %scan3A_427 to %scan3A_429 step %scan3A_430  : i32 {
        %mul3A_493 = arith.constant 1 : i32
        %mul3A_494 = arith.muli %scan3A_492, %mul3A_493 : i32
        %add3A_495 = arith.constant 0 : i32
        %add3A_496 = arith.addi %add3A_495, %mul3A_494 : i32
        %mul3A_497 = arith.constant 16 : i32
        %mul3A_498 = arith.muli %add3A_496, %mul3A_497 : i32
        %jit3A_499 = arith.constant 8 : i32
        %div3A_500 = arith.divsi %add3A_496, %jit3A_499 : i32
        %sign3A_501 = arith.constant 0 : i32
        %sign3A_502 = arith.cmpi sgt, %add3A_496, %sign3A_501 : i32
        %sign3A_503 = arith.extui %sign3A_502 : i1 to i32
        %sign3A_504 = arith.constant 0 : i32
        %sign3A_505 = arith.cmpi slt, %add3A_496, %sign3A_504 : i32
        %sign3A_506 = arith.extui %sign3A_505 : i1 to i32
        %sign3A_507 = arith.subi %sign3A_503, %sign3A_506 : i32
        %sign3A_508 = arith.constant 0 : i32
        %sign3A_509 = arith.cmpi sgt, %jit3A_499, %sign3A_508 : i32
        %sign3A_510 = arith.extui %sign3A_509 : i1 to i32
        %sign3A_511 = arith.constant 0 : i32
        %sign3A_512 = arith.cmpi slt, %jit3A_499, %sign3A_511 : i32
        %sign3A_513 = arith.extui %sign3A_512 : i1 to i32
        %sign3A_514 = arith.subi %sign3A_510, %sign3A_513 : i32
        %ne3A_515 = arith.cmpi ne, %sign3A_507, %sign3A_514 : i32
        %rem3A_516 = arith.remsi %add3A_496, %jit3A_499 : i32
        %ne3A_517 = arith.constant 0 : i32
        %ne3A_518 = arith.cmpi ne, %rem3A_516, %ne3A_517 : i32
        %and3A_519 = arith.andi %ne3A_515, %ne3A_518 : i1
        %sub3A_520 = arith.constant 1 : i32
        %sub3A_521 = arith.subi %div3A_500, %sub3A_520 : i32
        %select_n3A_522 = arith.select %and3A_519, %sub3A_521, %div3A_500 : i32
        %jit3A_523 = arith.constant 8 : i32
        %eq3A = arith.constant 0 : i32
        %eq3A_524 = arith.cmpi eq, %jit3A_523, %eq3A : i32
        %jit3A_525 = arith.constant 1 : i32
        %select_n3A_526 = arith.select %eq3A_524, %jit3A_525, %jit3A_523 : i32
        %rem3A_527 = arith.remsi %add3A_496, %select_n3A_526 : i32
        %ne3A_528 = arith.constant 0 : i32
        %ne3A_529 = arith.cmpi ne, %rem3A_527, %ne3A_528 : i32
        %lt3A_530 = arith.constant 0 : i32
        %lt3A_531 = arith.cmpi slt, %rem3A_527, %lt3A_530 : i32
        %lt3A_532 = arith.constant 0 : i32
        %lt3A_533 = arith.cmpi slt, %select_n3A_526, %lt3A_532 : i32
        %ne3A_534 = arith.xori %lt3A_531, %lt3A_533 : i1
        %and3A_535 = arith.andi %ne3A_534, %ne3A_529 : i1
        %add3A_536 = arith.addi %rem3A_527, %select_n3A_526 : i32
        %select_n3A_537 = arith.select %and3A_535, %add3A_536, %rem3A_527 : i32
        %mul3A_538 = arith.constant 16 : i32
        %mul3A_539 = arith.muli %select_n3A_537, %mul3A_538 : i32
        %get3A = arith.constant 1 : i32
        %get3A_540 = arith.constant 0 : i32
        %get3A_541 = arith.index_cast %get3A : i32 to index
        %get3A_542 = arith.index_cast %select_n3A_522 : i32 to index
        %get3A_543 = arith.index_cast %get3A_540 : i32 to index
        %get3A_544 = arith.index_cast %mul3A_539 : i32 to index
        %get3A_545 = tpu.vector_load %arg5[%get3A_541, %get3A_542, %get3A_543, %get3A_544] {strides = array<i32>} : memref<2x16x4x128xf32, #tpu.memory_space<vmem>>, vector<16xf32>,
        %get3A_546 = arith.constant 1 : i32
        %get3A_547 = arith.constant 1 : i32
        %get3A_548 = arith.index_cast %get3A_546 : i32 to index
        %get3A_549 = arith.index_cast %select_n3A_522 : i32 to index
        %get3A_550 = arith.index_cast %get3A_547 : i32 to index
        %get3A_551 = arith.index_cast %mul3A_539 : i32 to index
        %get3A_552 = tpu.vector_load %arg5[%get3A_548, %get3A_549, %get3A_550, %get3A_551] {strides = array<i32>} : memref<2x16x4x128xf32, #tpu.memory_space<vmem>>, vector<16xf32>,
        %get3A_553 = arith.constant 1 : i32
        %get3A_554 = arith.constant 2 : i32
        %get3A_555 = arith.index_cast %get3A_553 : i32 to index
        %get3A_556 = arith.index_cast %select_n3A_522 : i32 to index
        %get3A_557 = arith.index_cast %get3A_554 : i32 to index
        %get3A_558 = arith.index_cast %mul3A_539 : i32 to index
        %get3A_559 = tpu.vector_load %arg5[%get3A_555, %get3A_556, %get3A_557, %get3A_558] {strides = array<i32>} : memref<2x16x4x128xf32, #tpu.memory_space<vmem>>, vector<16xf32>,
        %abs3A = math.absf %get3A_545 : vector<16xf32>
        %lt3A_560 = arith.constant 1.500000e+00 : f32
        %lt3A_561 = vector.broadcast %lt3A_560 : f32 to vector<16xf32>
        %lt3A_562 = arith.cmpf olt, %abs3A, %lt3A_561 : vector<16xf32>
        %abs3A_563 = math.absf %get3A_552 : vector<16xf32>
        %lt3A_564 = arith.constant 1.500000e+00 : f32
        %lt3A_565 = vector.broadcast %lt3A_564 : f32 to vector<16xf32>
        %lt3A_566 = arith.cmpf olt, %abs3A_563, %lt3A_565 : vector<16xf32>
        %and3A_567 = arith.andi %lt3A_562, %lt3A_566 : vector<16xi1>
        %abs3A_568 = math.absf %get3A_559 : vector<16xf32>
        %lt3A_569 = arith.constant 1.500000e+00 : f32
        %lt3A_570 = vector.broadcast %lt3A_569 : f32 to vector<16xf32>
        %lt3A_571 = arith.cmpf olt, %abs3A_568, %lt3A_570 : vector<16xf32>
        %and3A_572 = arith.andi %and3A_567, %lt3A_571 : vector<16xi1>
        %div3A_573 = arith.constant 3.000000e-02 : f32
        %div3A_574 = vector.broadcast %div3A_573 : f32 to vector<16xf32>
        %div3A_575 = arith.divf %get3A_545, %div3A_574 : vector<16xf32>
        %add3A_576 = arith.constant 5.000000e+01 : f32
        %add3A_577 = vector.broadcast %add3A_576 : f32 to vector<16xf32>
        %add3A_578 = arith.addf %div3A_575, %add3A_577 : vector<16xf32>
        %convert_element_type3A_579 = arith.fptosi %add3A_578 : vector<16xf32> to vector<16xi32>
        %jit3A_580 = arith.constant 0 : i32
        %jit3A_581 = arith.constant 99 : i32
        %max3A = vector.broadcast %jit3A_580 : i32 to vector<16xi32>
        %max3A_582 = arith.maxsi %max3A, %convert_element_type3A_579 : vector<16xi32>
        %min3A = vector.broadcast %jit3A_581 : i32 to vector<16xi32>
        %min3A_583 = arith.minsi %min3A, %max3A_582 : vector<16xi32>
        %div3A_584 = arith.constant 3.000000e-02 : f32
        %div3A_585 = vector.broadcast %div3A_584 : f32 to vector<16xf32>
        %div3A_586 = arith.divf %get3A_552, %div3A_585 : vector<16xf32>
        %add3A_587 = arith.constant 5.000000e+01 : f32
        %add3A_588 = vector.broadcast %add3A_587 : f32 to vector<16xf32>
        %add3A_589 = arith.addf %div3A_586, %add3A_588 : vector<16xf32>
        %convert_element_type3A_590 = arith.fptosi %add3A_589 : vector<16xf32> to vector<16xi32>
        %jit3A_591 = arith.constant 0 : i32
        %jit3A_592 = arith.constant 99 : i32
        %max3A_593 = vector.broadcast %jit3A_591 : i32 to vector<16xi32>
        %max3A_594 = arith.maxsi %max3A_593, %convert_element_type3A_590 : vector<16xi32>
        %min3A_595 = vector.broadcast %jit3A_592 : i32 to vector<16xi32>
        %min3A_596 = arith.minsi %min3A_595, %max3A_594 : vector<16xi32>
        %div3A_597 = arith.constant 3.000000e-02 : f32
        %div3A_598 = vector.broadcast %div3A_597 : f32 to vector<16xf32>
        %div3A_599 = arith.divf %get3A_559, %div3A_598 : vector<16xf32>
        %add3A_600 = arith.constant 5.000000e+01 : f32
        %add3A_601 = vector.broadcast %add3A_600 : f32 to vector<16xf32>
        %add3A_602 = arith.addf %div3A_599, %add3A_601 : vector<16xf32>
        %convert_element_type3A_603 = arith.fptosi %add3A_602 : vector<16xf32> to vector<16xi32>
        %jit3A_604 = arith.constant 0 : i32
        %jit3A_605 = arith.constant 99 : i32
        %max3A_606 = vector.broadcast %jit3A_604 : i32 to vector<16xi32>
        %max3A_607 = arith.maxsi %max3A_606, %convert_element_type3A_603 : vector<16xi32>
        %min3A_608 = vector.broadcast %jit3A_605 : i32 to vector<16xi32>
        %min3A_609 = arith.minsi %min3A_608, %max3A_607 : vector<16xi32>
        %mul3A_610 = arith.constant 100 : i32
        %mul3A_611 = vector.broadcast %mul3A_610 : i32 to vector<16xi32>
        %mul3A_612 = arith.muli %min3A_583, %mul3A_611 : vector<16xi32>
        %add3A_613 = arith.addi %mul3A_612, %min3A_596 : vector<16xi32>
        %mul3A_614 = arith.constant 100 : i32
        %mul3A_615 = vector.broadcast %mul3A_614 : i32 to vector<16xi32>
        %mul3A_616 = arith.muli %add3A_613, %mul3A_615 : vector<16xi32>
        %add3A_617 = arith.addi %mul3A_616, %min3A_609 : vector<16xi32>
        %jit3A_618 = arith.constant 1000000 : i32
        %broadcast_in_dim3A = vector.broadcast %jit3A_618 : i32 to vector<16xi32>
        %select_n3A_619 = arith.select %and3A_572, %add3A_617, %broadcast_in_dim3A : vector<16xi1>, vector<16xi32>
        %shift_right_arithmetic3A = arith.constant 1 : i32
        %shift_right_arithmetic3A_620 = vector.broadcast %shift_right_arithmetic3A : i32 to vector<16xi32>
        %shift_right_arithmetic3A_621 = arith.shrsi %select_n3A_619, %shift_right_arithmetic3A_620 : vector<16xi32>
        %swap3A = arith.constant 1 : i32
        %swap3A_622 = arith.index_cast %swap3A : i32 to index
        %swap3A_623 = arith.index_cast %mul3A_498 : i32 to index
        %swap3A_624 = tpu.vector_load %arg6[%swap3A_622, %swap3A_623] {strides = array<i32>} : memref<2x2048xi32, #tpu.memory_space<vmem>>, vector<16xi32>,
        tpu.vector_store %arg6[%swap3A_622, %swap3A_623], %shift_right_arithmetic3A_621 {strides = array<i32>} : memref<2x2048xi32, #tpu.memory_space<vmem>>, vector<16xi32>,
        %and3A_625 = arith.constant 1 : i32
        %and3A_626 = vector.broadcast %and3A_625 : i32 to vector<16xi32>
        %and3A_627 = arith.andi %select_n3A_619, %and3A_626 : vector<16xi32>
        %shift_left3A = arith.constant 2 : i32
        %shift_left3A_628 = vector.broadcast %shift_left3A : i32 to vector<16xi32>
        %shift_left3A_629 = arith.shli %and3A_627, %shift_left3A_628 : vector<16xi32>
        %swap3A_630 = arith.constant 1 : i32
        %swap3A_631 = arith.index_cast %swap3A_630 : i32 to index
        %swap3A_632 = arith.index_cast %mul3A_498 : i32 to index
        %swap3A_633 = tpu.vector_load %arg7[%swap3A_631, %swap3A_632] {strides = array<i32>} : memref<2x2048xi32, #tpu.memory_space<vmem>>, vector<16xi32>,
        tpu.vector_store %arg7[%swap3A_631, %swap3A_632], %shift_left3A_629 {strides = array<i32>} : memref<2x2048xi32, #tpu.memory_space<vmem>>, vector<16xi32>,
      }
      %scan3A_431 = arith.constant 128 : i32
      %dma_start3A_432 = arith.constant 1 : i32
      %dma_start3A_433 = arith.constant 1 : i32
      %dma_start3A_434 = arith.constant 0 : i32
      %dma_start3A_435 = arith.constant 0 : i32
      %dma_start3A_436 = tpu.memref_slice %arg8[%dma_start3A_433, %dma_start3A_434, %dma_start3A_435] : memref<2x2048x8xf32, #tpu.memory_space<vmem>> -> memref<1x512x8xf32, #tpu.memory_space<vmem>>
      %dma_start3A_437 = tpu.memref_squeeze %dma_start3A_436 : memref<1x512x8xf32, #tpu.memory_space<vmem>> -> memref<512x8xf32, #tpu.memory_space<vmem>>
      %dma_start3A_438 = arith.constant 0 : i32
      %dma_start3A_439 = tpu.memref_slice %arg6[%dma_start3A_432, %dma_start3A_438] : memref<2x2048xi32, #tpu.memory_space<vmem>> -> memref<1x512xi32, #tpu.memory_space<vmem>>
      %dma_start3A_440 = tpu.memref_squeeze %dma_start3A_439 : memref<1x512xi32, #tpu.memory_space<vmem>> -> memref<512xi32, #tpu.memory_space<vmem>>
      %dma_start3A_441 = arith.constant 0 : i32
      %dma_start3A_442 = arith.constant 0 : i32
      %dma_start3A_443 = tpu.memref_slice %arg3[%dma_start3A_441, %dma_start3A_442] : memref<500004x8xf32, #tpu.memory_space<hbm>> -> memref<500004x8xf32, #tpu.memory_space<hbm>>
      tpu.enqueue_indirect_dma source(%dma_start3A_443 : memref<500004x8xf32, #tpu.memory_space<hbm>>) target(%dma_start3A_437 : memref<512x8xf32, #tpu.memory_space<vmem>>) offsets(%dma_start3A_440 : memref<512xi32, #tpu.memory_space<vmem>>) semaphore(%arg12 : memref<!tpu.dma_semaphore, #tpu.memory_space<semaphore_mem>>)
      %dma_start3A_444 = arith.constant 1 : i32
      %dma_start3A_445 = arith.constant 1 : i32
      %dma_start3A_446 = arith.constant 512 : i32
      %dma_start3A_447 = arith.constant 0 : i32
      %dma_start3A_448 = tpu.memref_slice %arg8[%dma_start3A_445, %dma_start3A_446, %dma_start3A_447] : memref<2x2048x8xf32, #tpu.memory_space<vmem>> -> memref<1x512x8xf32, #tpu.memory_space<vmem>>
      %dma_start3A_449 = tpu.memref_squeeze %dma_start3A_448 : memref<1x512x8xf32, #tpu.memory_space<vmem>> -> memref<512x8xf32, #tpu.memory_space<vmem>>
      %dma_start3A_450 = arith.constant 512 : i32
      %dma_start3A_451 = tpu.memref_slice %arg6[%dma_start3A_444, %dma_start3A_450] : memref<2x2048xi32, #tpu.memory_space<vmem>> -> memref<1x512xi32, #tpu.memory_space<vmem>>
      %dma_start3A_452 = tpu.memref_squeeze %dma_start3A_451 : memref<1x512xi32, #tpu.memory_space<vmem>> -> memref<512xi32, #tpu.memory_space<vmem>>
      %dma_start3A_453 = arith.constant 0 : i32
      %dma_start3A_454 = arith.constant 0 : i32
      %dma_start3A_455 = tpu.memref_slice %arg3[%dma_start3A_453, %dma_start3A_454] : memref<500004x8xf32, #tpu.memory_space<hbm>> -> memref<500004x8xf32, #tpu.memory_space<hbm>>
      tpu.enqueue_indirect_dma source(%dma_start3A_455 : memref<500004x8xf32, #tpu.memory_space<hbm>>) target(%dma_start3A_449 : memref<512x8xf32, #tpu.memory_space<vmem>>) offsets(%dma_start3A_452 : memref<512xi32, #tpu.memory_space<vmem>>) semaphore(%arg12 : memref<!tpu.dma_semaphore, #tpu.memory_space<semaphore_mem>>)
      %dma_start3A_456 = arith.constant 1 : i32
      %dma_start3A_457 = arith.constant 1 : i32
      %dma_start3A_458 = arith.constant 1024 : i32
      %dma_start3A_459 = arith.constant 0 : i32
      %dma_start3A_460 = tpu.memref_slice %arg8[%dma_start3A_457, %dma_start3A_458, %dma_start3A_459] : memref<2x2048x8xf32, #tpu.memory_space<vmem>> -> memref<1x512x8xf32, #tpu.memory_space<vmem>>
      %dma_start3A_461 = tpu.memref_squeeze %dma_start3A_460 : memref<1x512x8xf32, #tpu.memory_space<vmem>> -> memref<512x8xf32, #tpu.memory_space<vmem>>
      %dma_start3A_462 = arith.constant 1024 : i32
      %dma_start3A_463 = tpu.memref_slice %arg6[%dma_start3A_456, %dma_start3A_462] : memref<2x2048xi32, #tpu.memory_space<vmem>> -> memref<1x512xi32, #tpu.memory_space<vmem>>
      %dma_start3A_464 = tpu.memref_squeeze %dma_start3A_463 : memref<1x512xi32, #tpu.memory_space<vmem>> -> memref<512xi32, #tpu.memory_space<vmem>>
      %dma_start3A_465 = arith.constant 0 : i32
      %dma_start3A_466 = arith.constant 0 : i32
      %dma_start3A_467 = tpu.memref_slice %arg3[%dma_start3A_465, %dma_start3A_466] : memref<500004x8xf32, #tpu.memory_space<hbm>> -> memref<500004x8xf32, #tpu.memory_space<hbm>>
      tpu.enqueue_indirect_dma source(%dma_start3A_467 : memref<500004x8xf32, #tpu.memory_space<hbm>>) target(%dma_start3A_461 : memref<512x8xf32, #tpu.memory_space<vmem>>) offsets(%dma_start3A_464 : memref<512xi32, #tpu.memory_space<vmem>>) semaphore(%arg12 : memref<!tpu.dma_semaphore, #tpu.memory_space<semaphore_mem>>)
      %dma_start3A_468 = arith.constant 1 : i32
      %dma_start3A_469 = arith.constant 1 : i32
      %dma_start3A_470 = arith.constant 1536 : i32
      %dma_start3A_471 = arith.constant 0 : i32
      %dma_start3A_472 = tpu.memref_slice %arg8[%dma_start3A_469, %dma_start3A_470, %dma_start3A_471] : memref<2x2048x8xf32, #tpu.memory_space<vmem>> -> memref<1x512x8xf32, #tpu.memory_space<vmem>>
      %dma_start3A_473 = tpu.memref_squeeze %dma_start3A_472 : memref<1x512x8xf32, #tpu.memory_space<vmem>> -> memref<512x8xf32, #tpu.memory_space<vmem>>
      %dma_start3A_474 = arith.constant 1536 : i32
      %dma_start3A_475 = tpu.memref_slice %arg6[%dma_start3A_468, %dma_start3A_474] : memref<2x2048xi32, #tpu.memory_space<vmem>> -> memref<1x512xi32, #tpu.memory_space<vmem>>
      %dma_start3A_476 = tpu.memref_squeeze %dma_start3A_475 : memref<1x512xi32, #tpu.memory_space<vmem>> -> memref<512xi32, #tpu.memory_space<vmem>>
      %dma_start3A_477 = arith.constant 0 : i32
      %dma_start3A_478 = arith.constant 0 : i32
      %dma_start3A_479 = tpu.memref_slice %arg3[%dma_start3A_477, %dma_start3A_478] : memref<500004x8xf32, #tpu.memory_space<hbm>> -> memref<500004x8xf32, #tpu.memory_space<hbm>>
      tpu.enqueue_indirect_dma source(%dma_start3A_479 : memref<500004x8xf32, #tpu.memory_space<hbm>>) target(%dma_start3A_473 : memref<512x8xf32, #tpu.memory_space<vmem>>) offsets(%dma_start3A_476 : memref<512xi32, #tpu.memory_space<vmem>>) semaphore(%arg12 : memref<!tpu.dma_semaphore, #tpu.memory_space<semaphore_mem>>)
      %add3A_480 = arith.constant 1 : i32
      %add3A_481 = arith.addi %add3A_382, %add3A_480 : i32
      %lt3A_482 = arith.constant 64 : i32
      %lt3A_483 = arith.cmpi slt, %add3A_481, %lt3A_482 : i32
      %convert_element_type3A_484 = arith.extui %lt3A_483 : i1 to i32
      %cond3A_485 = arith.constant 0 : i32
      %cond3A_486 = arith.cmpi ne, %convert_element_type3A_484, %cond3A_485 : i32
      scf.if %cond3A_486 {
        %add3A_492 = arith.constant 1 : i32
        %add3A_493 = arith.addi %add3A_382, %add3A_492 : i32
        %mul3A_494 = arith.constant 2048 : i32
        %mul3A_495 = arith.muli %add3A_493, %mul3A_494 : i32
        %add3A_496 = arith.addi %mul3A_2, %mul3A_495 : i32
        %jit3A_497 = arith.constant 128 : i32
        %div3A_498 = arith.divsi %add3A_496, %jit3A_497 : i32
        %sign3A_499 = arith.constant 0 : i32
        %sign3A_500 = arith.cmpi sgt, %add3A_496, %sign3A_499 : i32
        %sign3A_501 = arith.extui %sign3A_500 : i1 to i32
        %sign3A_502 = arith.constant 0 : i32
        %sign3A_503 = arith.cmpi slt, %add3A_496, %sign3A_502 : i32
        %sign3A_504 = arith.extui %sign3A_503 : i1 to i32
        %sign3A_505 = arith.subi %sign3A_501, %sign3A_504 : i32
        %sign3A_506 = arith.constant 0 : i32
        %sign3A_507 = arith.cmpi sgt, %jit3A_497, %sign3A_506 : i32
        %sign3A_508 = arith.extui %sign3A_507 : i1 to i32
        %sign3A_509 = arith.constant 0 : i32
        %sign3A_510 = arith.cmpi slt, %jit3A_497, %sign3A_509 : i32
        %sign3A_511 = arith.extui %sign3A_510 : i1 to i32
        %sign3A_512 = arith.subi %sign3A_508, %sign3A_511 : i32
        %ne3A_513 = arith.cmpi ne, %sign3A_505, %sign3A_512 : i32
        %rem3A_514 = arith.remsi %add3A_496, %jit3A_497 : i32
        %ne3A_515 = arith.constant 0 : i32
        %ne3A_516 = arith.cmpi ne, %rem3A_514, %ne3A_515 : i32
        %and3A_517 = arith.andi %ne3A_513, %ne3A_516 : i1
        %sub3A_518 = arith.constant 1 : i32
        %sub3A_519 = arith.subi %div3A_498, %sub3A_518 : i32
        %select_n3A_520 = arith.select %and3A_517, %sub3A_519, %div3A_498 : i32
        %dma_start3A_521 = arith.constant 0 : i32
        %dma_start3A_522 = arith.constant 0 : i32
        %dma_start3A_523 = arith.constant 0 : i32
        %dma_start3A_524 = arith.constant 0 : i32
        %dma_start3A_525 = tpu.memref_slice %arg5[%dma_start3A_521, %dma_start3A_522, %dma_start3A_523, %dma_start3A_524] : memref<2x16x4x128xf32, #tpu.memory_space<vmem>> -> memref<1x16x4x128xf32, #tpu.memory_space<vmem>>
        %dma_start3A_526 = tpu.memref_squeeze %dma_start3A_525 : memref<1x16x4x128xf32, #tpu.memory_space<vmem>> -> memref<16x4x128xf32, #tpu.memory_space<vmem>>
        %dma_start3A_527 = arith.constant 0 : i32
        %dma_start3A_528 = arith.constant 0 : i32
        %dma_start3A_529 = tpu.memref_slice %arg2[%select_n3A_520, %dma_start3A_527, %dma_start3A_528] : memref<32768x4x128xf32, #tpu.memory_space<hbm>> -> memref<16x4x128xf32, #tpu.memory_space<hbm>>
        %dma_start3A_530 = arith.constant 0 : i32
        %dma_start3A_531 = arith.constant 0 : i32
        %dma_start3A_532 = arith.constant 0 : i32
        %dma_start3A_533 = tpu.memref_slice %arg5[%dma_start3A_521, %dma_start3A_530, %dma_start3A_531, %dma_start3A_532] : memref<2x16x4x128xf32, #tpu.memory_space<vmem>> -> memref<1x16x4x128xf32, #tpu.memory_space<vmem>>
        %dma_start3A_534 = tpu.memref_squeeze %dma_start3A_533 : memref<1x16x4x128xf32, #tpu.memory_space<vmem>> -> memref<16x4x128xf32, #tpu.memory_space<vmem>>
        %dma_start3A_535 = arith.constant 0 : i32
        %dma_start3A_536 = arith.constant 0 : i32
        %dma_start3A_537 = tpu.memref_slice %arg2[%select_n3A_520, %dma_start3A_535, %dma_start3A_536] : memref<32768x4x128xf32, #tpu.memory_space<hbm>> -> memref<16x4x128xf32, #tpu.memory_space<hbm>>
        tpu.enqueue_dma source(%dma_start3A_537 : memref<16x4x128xf32, #tpu.memory_space<hbm>>) target(%dma_start3A_534 : memref<16x4x128xf32, #tpu.memory_space<vmem>>) target_semaphore(%arg10 : memref<!tpu.dma_semaphore, #tpu.memory_space<semaphore_mem>>)
      } else {
      }
      %gt3A_487 = arith.constant 0 : i32
      %gt3A_488 = arith.cmpi sgt, %add3A_382, %gt3A_487 : i32
      %convert_element_type3A_489 = arith.extui %gt3A_488 : i1 to i32
      %cond3A_490 = arith.constant 0 : i32
      %cond3A_491 = arith.cmpi ne, %convert_element_type3A_489, %cond3A_490 : i32
      scf.if %cond3A_491 {
        %dma_wait3A_492 = arith.constant 0 : i32
        %dma_wait3A_493 = arith.constant 0 : i32
        %dma_wait3A_494 = arith.constant 0 : i32
        %dma_wait3A_495 = arith.constant 0 : i32
        %dma_wait3A_496 = tpu.memref_slice %arg8[%dma_wait3A_493, %dma_wait3A_494, %dma_wait3A_495] : memref<2x2048x8xf32, #tpu.memory_space<vmem>> -> memref<1x512x8xf32, #tpu.memory_space<vmem>>
        %dma_wait3A_497 = tpu.memref_squeeze %dma_wait3A_496 : memref<1x512x8xf32, #tpu.memory_space<vmem>> -> memref<512x8xf32, #tpu.memory_space<vmem>>
        %dma_wait3A_498 = arith.constant 0 : i32
        %dma_wait3A_499 = tpu.memref_slice %arg6[%dma_wait3A_492, %dma_wait3A_498] : memref<2x2048xi32, #tpu.memory_space<vmem>> -> memref<1x512xi32, #tpu.memory_space<vmem>>
        %dma_wait3A_500 = tpu.memref_squeeze %dma_wait3A_499 : memref<1x512xi32, #tpu.memory_space<vmem>> -> memref<512xi32, #tpu.memory_space<vmem>>
        %dma_wait3A_501 = arith.constant 0 : i32
        %dma_wait3A_502 = arith.constant 0 : i32
        %dma_wait3A_503 = tpu.memref_slice %arg3[%dma_wait3A_501, %dma_wait3A_502] : memref<500004x8xf32, #tpu.memory_space<hbm>> -> memref<500004x8xf32, #tpu.memory_space<hbm>>
        tpu.wait_indirect_dma semaphore(%arg11 : memref<!tpu.dma_semaphore, #tpu.memory_space<semaphore_mem>>) src(%dma_wait3A_503 : memref<500004x8xf32, #tpu.memory_space<hbm>>) dst(%dma_wait3A_497 : memref<512x8xf32, #tpu.memory_space<vmem>>)
        %dma_wait3A_504 = arith.constant 0 : i32
        %dma_wait3A_505 = arith.constant 0 : i32
        %dma_wait3A_506 = arith.constant 512 : i32
        %dma_wait3A_507 = arith.constant 0 : i32
        %dma_wait3A_508 = tpu.memref_slice %arg8[%dma_wait3A_505, %dma_wait3A_506, %dma_wait3A_507] : memref<2x2048x8xf32, #tpu.memory_space<vmem>> -> memref<1x512x8xf32, #tpu.memory_space<vmem>>
        %dma_wait3A_509 = tpu.memref_squeeze %dma_wait3A_508 : memref<1x512x8xf32, #tpu.memory_space<vmem>> -> memref<512x8xf32, #tpu.memory_space<vmem>>
        %dma_wait3A_510 = arith.constant 512 : i32
        %dma_wait3A_511 = tpu.memref_slice %arg6[%dma_wait3A_504, %dma_wait3A_510] : memref<2x2048xi32, #tpu.memory_space<vmem>> -> memref<1x512xi32, #tpu.memory_space<vmem>>
        %dma_wait3A_512 = tpu.memref_squeeze %dma_wait3A_511 : memref<1x512xi32, #tpu.memory_space<vmem>> -> memref<512xi32, #tpu.memory_space<vmem>>
        %dma_wait3A_513 = arith.constant 0 : i32
        %dma_wait3A_514 = arith.constant 0 : i32
        %dma_wait3A_515 = tpu.memref_slice %arg3[%dma_wait3A_513, %dma_wait3A_514] : memref<500004x8xf32, #tpu.memory_space<hbm>> -> memref<500004x8xf32, #tpu.memory_space<hbm>>
        tpu.wait_indirect_dma semaphore(%arg11 : memref<!tpu.dma_semaphore, #tpu.memory_space<semaphore_mem>>) src(%dma_wait3A_515 : memref<500004x8xf32, #tpu.memory_space<hbm>>) dst(%dma_wait3A_509 : memref<512x8xf32, #tpu.memory_space<vmem>>)
        %dma_wait3A_516 = arith.constant 0 : i32
        %dma_wait3A_517 = arith.constant 0 : i32
        %dma_wait3A_518 = arith.constant 1024 : i32
        %dma_wait3A_519 = arith.constant 0 : i32
        %dma_wait3A_520 = tpu.memref_slice %arg8[%dma_wait3A_517, %dma_wait3A_518, %dma_wait3A_519] : memref<2x2048x8xf32, #tpu.memory_space<vmem>> -> memref<1x512x8xf32, #tpu.memory_space<vmem>>
        %dma_wait3A_521 = tpu.memref_squeeze %dma_wait3A_520 : memref<1x512x8xf32, #tpu.memory_space<vmem>> -> memref<512x8xf32, #tpu.memory_space<vmem>>
        %dma_wait3A_522 = arith.constant 1024 : i32
        %dma_wait3A_523 = tpu.memref_slice %arg6[%dma_wait3A_516, %dma_wait3A_522] : memref<2x2048xi32, #tpu.memory_space<vmem>> -> memref<1x512xi32, #tpu.memory_space<vmem>>
        %dma_wait3A_524 = tpu.memref_squeeze %dma_wait3A_523 : memref<1x512xi32, #tpu.memory_space<vmem>> -> memref<512xi32, #tpu.memory_space<vmem>>
        %dma_wait3A_525 = arith.constant 0 : i32
        %dma_wait3A_526 = arith.constant 0 : i32
        %dma_wait3A_527 = tpu.memref_slice %arg3[%dma_wait3A_525, %dma_wait3A_526] : memref<500004x8xf32, #tpu.memory_space<hbm>> -> memref<500004x8xf32, #tpu.memory_space<hbm>>
        tpu.wait_indirect_dma semaphore(%arg11 : memref<!tpu.dma_semaphore, #tpu.memory_space<semaphore_mem>>) src(%dma_wait3A_527 : memref<500004x8xf32, #tpu.memory_space<hbm>>) dst(%dma_wait3A_521 : memref<512x8xf32, #tpu.memory_space<vmem>>)
        %dma_wait3A_528 = arith.constant 0 : i32
        %dma_wait3A_529 = arith.constant 0 : i32
        %dma_wait3A_530 = arith.constant 1536 : i32
        %dma_wait3A_531 = arith.constant 0 : i32
        %dma_wait3A_532 = tpu.memref_slice %arg8[%dma_wait3A_529, %dma_wait3A_530, %dma_wait3A_531] : memref<2x2048x8xf32, #tpu.memory_space<vmem>> -> memref<1x512x8xf32, #tpu.memory_space<vmem>>
        %dma_wait3A_533 = tpu.memref_squeeze %dma_wait3A_532 : memref<1x512x8xf32, #tpu.memory_space<vmem>> -> memref<512x8xf32, #tpu.memory_space<vmem>>
        %dma_wait3A_534 = arith.constant 1536 : i32
        %dma_wait3A_535 = tpu.memref_slice %arg6[%dma_wait3A_528, %dma_wait3A_534] : memref<2x2048xi32, #tpu.memory_space<vmem>> -> memref<1x512xi32, #tpu.memory_space<vmem>>
        %dma_wait3A_536 = tpu.memref_squeeze %dma_wait3A_535 : memref<1x512xi32, #tpu.memory_space<vmem>> -> memref<512xi32, #tpu.memory_space<vmem>>
        %dma_wait3A_537 = arith.constant 0 : i32
        %dma_wait3A_538 = arith.constant 0 : i32
        %dma_wait3A_539 = tpu.memref_slice %arg3[%dma_wait3A_537, %dma_wait3A_538] : memref<500004x8xf32, #tpu.memory_space<hbm>> -> memref<500004x8xf32, #tpu.memory_space<hbm>>
        tpu.wait_indirect_dma semaphore(%arg11 : memref<!tpu.dma_semaphore, #tpu.memory_space<semaphore_mem>>) src(%dma_wait3A_539 : memref<500004x8xf32, #tpu.memory_space<hbm>>) dst(%dma_wait3A_533 : memref<512x8xf32, #tpu.memory_space<vmem>>)
        %ge3A = arith.constant 3 : i32
        %ge3A_540 = arith.cmpi sge, %add3A_382, %ge3A : i32
        %convert_element_type3A_541 = arith.extui %ge3A_540 : i1 to i32
        %cond3A_542 = arith.constant 0 : i32
        %cond3A_543 = arith.cmpi ne, %convert_element_type3A_541, %cond3A_542 : i32
        scf.if %cond3A_543 {
          %sub3A_595 = arith.constant 3 : i32
          %sub3A_596 = arith.subi %add3A_382, %sub3A_595 : i32
          %mul3A_597 = arith.constant 2048 : i32
          %mul3A_598 = arith.muli %sub3A_596, %mul3A_597 : i32
          %add3A_599 = arith.addi %mul3A_2, %mul3A_598 : i32
          %jit3A_600 = arith.constant 128 : i32
          %div3A_601 = arith.divsi %add3A_599, %jit3A_600 : i32
          %sign3A_602 = arith.constant 0 : i32
          %sign3A_603 = arith.cmpi sgt, %add3A_599, %sign3A_602 : i32
          %sign3A_604 = arith.extui %sign3A_603 : i1 to i32
          %sign3A_605 = arith.constant 0 : i32
          %sign3A_606 = arith.cmpi slt, %add3A_599, %sign3A_605 : i32
          %sign3A_607 = arith.extui %sign3A_606 : i1 to i32
          %sign3A_608 = arith.subi %sign3A_604, %sign3A_607 : i32
          %sign3A_609 = arith.constant 0 : i32
          %sign3A_610 = arith.cmpi sgt, %jit3A_600, %sign3A_609 : i32
          %sign3A_611 = arith.extui %sign3A_610 : i1 to i32
          %sign3A_612 = arith.constant 0 : i32
          %sign3A_613 = arith.cmpi slt, %jit3A_600, %sign3A_612 : i32
          %sign3A_614 = arith.extui %sign3A_613 : i1 to i32
          %sign3A_615 = arith.subi %sign3A_611, %sign3A_614 : i32
          %ne3A_616 = arith.cmpi ne, %sign3A_608, %sign3A_615 : i32
          %rem3A_617 = arith.remsi %add3A_599, %jit3A_600 : i32
          %ne3A_618 = arith.constant 0 : i32
          %ne3A_619 = arith.cmpi ne, %rem3A_617, %ne3A_618 : i32
          %and3A_620 = arith.andi %ne3A_616, %ne3A_619 : i1
          %sub3A_621 = arith.constant 1 : i32
          %sub3A_622 = arith.subi %div3A_601, %sub3A_621 : i32
          %select_n3A_623 = arith.select %and3A_620, %sub3A_622, %div3A_601 : i32
          %dma_wait3A_624 = arith.constant 0 : i32
          %dma_wait3A_625 = arith.constant 0 : i32
          %dma_wait3A_626 = arith.constant 0 : i32
          %dma_wait3A_627 = arith.constant 0 : i32
          %dma_wait3A_628 = tpu.memref_slice %arg9[%dma_wait3A_624, %dma_wait3A_625, %dma_wait3A_626, %dma_wait3A_627] : memref<2x16x4x128xf32, #tpu.memory_space<vmem>> -> memref<1x16x4x128xf32, #tpu.memory_space<vmem>>
          %dma_wait3A_629 = tpu.memref_squeeze %dma_wait3A_628 : memref<1x16x4x128xf32, #tpu.memory_space<vmem>> -> memref<16x4x128xf32, #tpu.memory_space<vmem>>
          %dma_wait3A_630 = arith.constant 0 : i32
          %dma_wait3A_631 = arith.constant 0 : i32
          %dma_wait3A_632 = tpu.memref_slice %arg4[%select_n3A_623, %dma_wait3A_630, %dma_wait3A_631] : memref<32768x4x128xf32, #tpu.memory_space<hbm>> -> memref<16x4x128xf32, #tpu.memory_space<hbm>>
          %dma_wait3A_633 = arith.constant 0 : i32
          %dma_wait3A_634 = arith.constant 0 : i32
          %dma_wait3A_635 = tpu.memref_slice %arg4[%select_n3A_623, %dma_wait3A_633, %dma_wait3A_634] : memref<32768x4x128xf32, #tpu.memory_space<hbm>> -> memref<16x4x128xf32, #tpu.memory_space<hbm>>
          %dma_wait3A_636 = arith.constant 0 : i32
          %dma_wait3A_637 = arith.constant 0 : i32
          %dma_wait3A_638 = arith.constant 0 : i32
          %dma_wait3A_639 = tpu.memref_slice %arg9[%dma_wait3A_624, %dma_wait3A_636, %dma_wait3A_637, %dma_wait3A_638] : memref<2x16x4x128xf32, #tpu.memory_space<vmem>> -> memref<1x16x4x128xf32, #tpu.memory_space<vmem>>
          %dma_wait3A_640 = tpu.memref_squeeze %dma_wait3A_639 : memref<1x16x4x128xf32, #tpu.memory_space<vmem>> -> memref<16x4x128xf32, #tpu.memory_space<vmem>>
          tpu.wait_dma2 semaphore(%arg13 : memref<!tpu.dma_semaphore, #tpu.memory_space<semaphore_mem>>) src(%dma_wait3A_640 : memref<16x4x128xf32, #tpu.memory_space<vmem>>) dst(%dma_wait3A_635 : memref<16x4x128xf32, #tpu.memory_space<hbm>>)
        } else {
        }
        %scan3A_544 = arith.constant 0 : i32
        %scan3A_545 = arith.constant 128 : i32
        %scan3A_546 = arith.addi %scan3A_544, %scan3A_545 : i32
        %scan3A_547 = arith.constant 1 : i32
        scf.for %scan3A_595 = %scan3A_544 to %scan3A_546 step %scan3A_547  : i32 {
          %mul3A_596 = arith.constant 1 : i32
          %mul3A_597 = arith.muli %scan3A_595, %mul3A_596 : i32
          %add3A_598 = arith.constant 0 : i32
          %add3A_599 = arith.addi %add3A_598, %mul3A_597 : i32
          %mul3A_600 = arith.constant 16 : i32
          %mul3A_601 = arith.muli %add3A_599, %mul3A_600 : i32
          %mul3A_602 = arith.constant 16 : i32
          %mul3A_603 = arith.muli %add3A_599, %mul3A_602 : i32
          %add3A_604 = vector.broadcast %mul3A_603 : i32 to vector<16xi32>
          %add3A_605 = arith.addi %iota3A, %add3A_604 : vector<16xi32>
          %get3A = arith.constant 0 : i32
          %get3A_606 = arith.index_cast %get3A : i32 to index
          %get3A_607 = arith.index_cast %mul3A_601 : i32 to index
          %get3A_608 = tpu.vector_load %arg7[%get3A_606, %get3A_607] {strides = array<i32>} : memref<2x2048xi32, #tpu.memory_space<vmem>>, vector<16xi32>,
          %jit3A_609 = arith.constant 8 : i32
          %div3A_610 = arith.divsi %add3A_599, %jit3A_609 : i32
          %sign3A_611 = arith.constant 0 : i32
          %sign3A_612 = arith.cmpi sgt, %add3A_599, %sign3A_611 : i32
          %sign3A_613 = arith.extui %sign3A_612 : i1 to i32
          %sign3A_614 = arith.constant 0 : i32
          %sign3A_615 = arith.cmpi slt, %add3A_599, %sign3A_614 : i32
          %sign3A_616 = arith.extui %sign3A_615 : i1 to i32
          %sign3A_617 = arith.subi %sign3A_613, %sign3A_616 : i32
          %sign3A_618 = arith.constant 0 : i32
          %sign3A_619 = arith.cmpi sgt, %jit3A_609, %sign3A_618 : i32
          %sign3A_620 = arith.extui %sign3A_619 : i1 to i32
          %sign3A_621 = arith.constant 0 : i32
          %sign3A_622 = arith.cmpi slt, %jit3A_609, %sign3A_621 : i32
          %sign3A_623 = arith.extui %sign3A_622 : i1 to i32
          %sign3A_624 = arith.subi %sign3A_620, %sign3A_623 : i32
          %ne3A_625 = arith.cmpi ne, %sign3A_617, %sign3A_624 : i32
          %rem3A_626 = arith.remsi %add3A_599, %jit3A_609 : i32
          %ne3A_627 = arith.constant 0 : i32
          %ne3A_628 = arith.cmpi ne, %rem3A_626, %ne3A_627 : i32
          %and3A_629 = arith.andi %ne3A_625, %ne3A_628 : i1
          %sub3A_630 = arith.constant 1 : i32
          %sub3A_631 = arith.subi %div3A_610, %sub3A_630 : i32
          %select_n3A_632 = arith.select %and3A_629, %sub3A_631, %div3A_610 : i32
          %jit3A_633 = arith.constant 8 : i32
          %eq3A = arith.constant 0 : i32
          %eq3A_634 = arith.cmpi eq, %jit3A_633, %eq3A : i32
          %jit3A_635 = arith.constant 1 : i32
          %select_n3A_636 = arith.select %eq3A_634, %jit3A_635, %jit3A_633 : i32
          %rem3A_637 = arith.remsi %add3A_599, %select_n3A_636 : i32
          %ne3A_638 = arith.constant 0 : i32
          %ne3A_639 = arith.cmpi ne, %rem3A_637, %ne3A_638 : i32
          %lt3A_640 = arith.constant 0 : i32
          %lt3A_641 = arith.cmpi slt, %rem3A_637, %lt3A_640 : i32
          %lt3A_642 = arith.constant 0 : i32
          %lt3A_643 = arith.cmpi slt, %select_n3A_636, %lt3A_642 : i32
          %ne3A_644 = arith.xori %lt3A_641, %lt3A_643 : i1
          %and3A_645 = arith.andi %ne3A_644, %ne3A_639 : i1
          %add3A_646 = arith.addi %rem3A_637, %select_n3A_636 : i32
          %select_n3A_647 = arith.select %and3A_645, %add3A_646, %rem3A_637 : i32
          %mul3A_648 = arith.constant 16 : i32
          %mul3A_649 = arith.muli %select_n3A_647, %mul3A_648 : i32
          %add3A_650 = arith.constant 0 : i32
          %add3A_651 = vector.broadcast %add3A_650 : i32 to vector<16xi32>
          %add3A_652 = arith.addi %get3A_608, %add3A_651 : vector<16xi32>
          %gather3A = arith.constant 0 : i32
          %gather3A_653 = arith.constant 0 : i32
          %gather3A_654 = arith.constant 0 : i32
          %gather3A_655 = tpu.memref_slice %arg8[%gather3A, %gather3A_653, %gather3A_654] : memref<2x2048x8xf32, #tpu.memory_space<vmem>> -> memref<1x2048x8xf32, #tpu.memory_space<vmem>>
          %gather3A_656 = tpu.memref_squeeze %gather3A_655 : memref<1x2048x8xf32, #tpu.memory_space<vmem>> -> memref<2048x8xf32, #tpu.memory_space<vmem>>
          %gather3A_657 = tpu.vector_load_idx %gather3A_656[%add3A_605, %add3A_652] : memref<2048x8xf32, #tpu.memory_space<vmem>>[vector<16xi32>, vector<16xi32>], vector<16xf32>,
          %neg3A = arith.constant 0.000000e+00 : f32
          %neg3A_658 = vector.broadcast %neg3A : f32 to vector<16xf32>
          %neg3A_659 = arith.subf %neg3A_658, %gather3A_657 : vector<16xf32>
          %exp3A = math.exp %neg3A_659 : vector<16xf32>
          %add3A_660 = arith.constant 1.000000e+00 : f32
          %add3A_661 = vector.broadcast %add3A_660 : f32 to vector<16xf32>
          %add3A_662 = arith.addf %add3A_661, %exp3A : vector<16xf32>
          %div3A_663 = arith.constant 1.000000e+00 : f32
          %div3A_664 = vector.broadcast %div3A_663 : f32 to vector<16xf32>
          %div3A_665 = arith.divf %div3A_664, %add3A_662 : vector<16xf32>
          %swap3A = arith.constant 0 : i32
          %swap3A_666 = arith.constant 0 : i32
          %swap3A_667 = arith.index_cast %swap3A : i32 to index
          %swap3A_668 = arith.index_cast %select_n3A_632 : i32 to index
          %swap3A_669 = arith.index_cast %swap3A_666 : i32 to index
          %swap3A_670 = arith.index_cast %mul3A_649 : i32 to index
          %swap3A_671 = tpu.vector_load %arg9[%swap3A_667, %swap3A_668, %swap3A_669, %swap3A_670] {strides = array<i32>} : memref<2x16x4x128xf32, #tpu.memory_space<vmem>>, vector<16xf32>,
          tpu.vector_store %arg9[%swap3A_667, %swap3A_668, %swap3A_669, %swap3A_670], %div3A_665 {strides = array<i32>} : memref<2x16x4x128xf32, #tpu.memory_space<vmem>>, vector<16xf32>,
          %add3A_672 = arith.constant 1 : i32
          %add3A_673 = vector.broadcast %add3A_672 : i32 to vector<16xi32>
          %add3A_674 = arith.addi %get3A_608, %add3A_673 : vector<16xi32>
          %gather3A_675 = arith.constant 0 : i32
          %gather3A_676 = arith.constant 0 : i32
          %gather3A_677 = arith.constant 0 : i32
          %gather3A_678 = tpu.memref_slice %arg8[%gather3A_675, %gather3A_676, %gather3A_677] : memref<2x2048x8xf32, #tpu.memory_space<vmem>> -> memref<1x2048x8xf32, #tpu.memory_space<vmem>>
          %gather3A_679 = tpu.memref_squeeze %gather3A_678 : memref<1x2048x8xf32, #tpu.memory_space<vmem>> -> memref<2048x8xf32, #tpu.memory_space<vmem>>
          %gather3A_680 = tpu.vector_load_idx %gather3A_679[%add3A_605, %add3A_674] : memref<2048x8xf32, #tpu.memory_space<vmem>>[vector<16xi32>, vector<16xi32>], vector<16xf32>,
          %neg3A_681 = arith.constant 0.000000e+00 : f32
          %neg3A_682 = vector.broadcast %neg3A_681 : f32 to vector<16xf32>
          %neg3A_683 = arith.subf %neg3A_682, %gather3A_680 : vector<16xf32>
          %exp3A_684 = math.exp %neg3A_683 : vector<16xf32>
          %add3A_685 = arith.constant 1.000000e+00 : f32
          %add3A_686 = vector.broadcast %add3A_685 : f32 to vector<16xf32>
          %add3A_687 = arith.addf %add3A_686, %exp3A_684 : vector<16xf32>
          %div3A_688 = arith.constant 1.000000e+00 : f32
          %div3A_689 = vector.broadcast %div3A_688 : f32 to vector<16xf32>
          %div3A_690 = arith.divf %div3A_689, %add3A_687 : vector<16xf32>
          %swap3A_691 = arith.constant 0 : i32
          %swap3A_692 = arith.constant 1 : i32
          %swap3A_693 = arith.index_cast %swap3A_691 : i32 to index
          %swap3A_694 = arith.index_cast %select_n3A_632 : i32 to index
          %swap3A_695 = arith.index_cast %swap3A_692 : i32 to index
          %swap3A_696 = arith.index_cast %mul3A_649 : i32 to index
          %swap3A_697 = tpu.vector_load %arg9[%swap3A_693, %swap3A_694, %swap3A_695, %swap3A_696] {strides = array<i32>} : memref<2x16x4x128xf32, #tpu.memory_space<vmem>>, vector<16xf32>,
          tpu.vector_store %arg9[%swap3A_693, %swap3A_694, %swap3A_695, %swap3A_696], %div3A_690 {strides = array<i32>} : memref<2x16x4x128xf32, #tpu.memory_space<vmem>>, vector<16xf32>,
          %add3A_698 = arith.constant 2 : i32
          %add3A_699 = vector.broadcast %add3A_698 : i32 to vector<16xi32>
          %add3A_700 = arith.addi %get3A_608, %add3A_699 : vector<16xi32>
          %gather3A_701 = arith.constant 0 : i32
          %gather3A_702 = arith.constant 0 : i32
          %gather3A_703 = arith.constant 0 : i32
          %gather3A_704 = tpu.memref_slice %arg8[%gather3A_701, %gather3A_702, %gather3A_703] : memref<2x2048x8xf32, #tpu.memory_space<vmem>> -> memref<1x2048x8xf32, #tpu.memory_space<vmem>>
          %gather3A_705 = tpu.memref_squeeze %gather3A_704 : memref<1x2048x8xf32, #tpu.memory_space<vmem>> -> memref<2048x8xf32, #tpu.memory_space<vmem>>
          %gather3A_706 = tpu.vector_load_idx %gather3A_705[%add3A_605, %add3A_700] : memref<2048x8xf32, #tpu.memory_space<vmem>>[vector<16xi32>, vector<16xi32>], vector<16xf32>,
          %neg3A_707 = arith.constant 0.000000e+00 : f32
          %neg3A_708 = vector.broadcast %neg3A_707 : f32 to vector<16xf32>
          %neg3A_709 = arith.subf %neg3A_708, %gather3A_706 : vector<16xf32>
          %exp3A_710 = math.exp %neg3A_709 : vector<16xf32>
          %add3A_711 = arith.constant 1.000000e+00 : f32
          %add3A_712 = vector.broadcast %add3A_711 : f32 to vector<16xf32>
          %add3A_713 = arith.addf %add3A_712, %exp3A_710 : vector<16xf32>
          %div3A_714 = arith.constant 1.000000e+00 : f32
          %div3A_715 = vector.broadcast %div3A_714 : f32 to vector<16xf32>
          %div3A_716 = arith.divf %div3A_715, %add3A_713 : vector<16xf32>
          %swap3A_717 = arith.constant 0 : i32
          %swap3A_718 = arith.constant 2 : i32
          %swap3A_719 = arith.index_cast %swap3A_717 : i32 to index
          %swap3A_720 = arith.index_cast %select_n3A_632 : i32 to index
          %swap3A_721 = arith.index_cast %swap3A_718 : i32 to index
          %swap3A_722 = arith.index_cast %mul3A_649 : i32 to index
          %swap3A_723 = tpu.vector_load %arg9[%swap3A_719, %swap3A_720, %swap3A_721, %swap3A_722] {strides = array<i32>} : memref<2x16x4x128xf32, #tpu.memory_space<vmem>>, vector<16xf32>,
          tpu.vector_store %arg9[%swap3A_719, %swap3A_720, %swap3A_721, %swap3A_722], %div3A_716 {strides = array<i32>} : memref<2x16x4x128xf32, #tpu.memory_space<vmem>>, vector<16xf32>,
          %add3A_724 = arith.constant 3 : i32
          %add3A_725 = vector.broadcast %add3A_724 : i32 to vector<16xi32>
          %add3A_726 = arith.addi %get3A_608, %add3A_725 : vector<16xi32>
          %gather3A_727 = arith.constant 0 : i32
          %gather3A_728 = arith.constant 0 : i32
          %gather3A_729 = arith.constant 0 : i32
          %gather3A_730 = tpu.memref_slice %arg8[%gather3A_727, %gather3A_728, %gather3A_729] : memref<2x2048x8xf32, #tpu.memory_space<vmem>> -> memref<1x2048x8xf32, #tpu.memory_space<vmem>>
          %gather3A_731 = tpu.memref_squeeze %gather3A_730 : memref<1x2048x8xf32, #tpu.memory_space<vmem>> -> memref<2048x8xf32, #tpu.memory_space<vmem>>
          %gather3A_732 = tpu.vector_load_idx %gather3A_731[%add3A_605, %add3A_726] : memref<2048x8xf32, #tpu.memory_space<vmem>>[vector<16xi32>, vector<16xi32>], vector<16xf32>,
          %max3A = arith.constant 0.000000e+00 : f32
          %max3A_733 = vector.broadcast %max3A : f32 to vector<16xf32>
          %max3A_734 = arith.maximumf %gather3A_732, %max3A_733 : vector<16xf32>
          %swap3A_735 = arith.constant 0 : i32
          %swap3A_736 = arith.constant 3 : i32
          %swap3A_737 = arith.index_cast %swap3A_735 : i32 to index
          %swap3A_738 = arith.index_cast %select_n3A_632 : i32 to index
          %swap3A_739 = arith.index_cast %swap3A_736 : i32 to index
          %swap3A_740 = arith.index_cast %mul3A_649 : i32 to index
          %swap3A_741 = tpu.vector_load %arg9[%swap3A_737, %swap3A_738, %swap3A_739, %swap3A_740] {strides = array<i32>} : memref<2x16x4x128xf32, #tpu.memory_space<vmem>>, vector<16xf32>,
          tpu.vector_store %arg9[%swap3A_737, %swap3A_738, %swap3A_739, %swap3A_740], %max3A_734 {strides = array<i32>} : memref<2x16x4x128xf32, #tpu.memory_space<vmem>>, vector<16xf32>,
        }
        %scan3A_548 = arith.constant 128 : i32
        %sub3A_549 = arith.constant 1 : i32
        %sub3A_550 = arith.subi %add3A_382, %sub3A_549 : i32
        %mul3A_551 = arith.constant 2048 : i32
        %mul3A_552 = arith.muli %sub3A_550, %mul3A_551 : i32
        %add3A_553 = arith.addi %mul3A_2, %mul3A_552 : i32
        %jit3A_554 = arith.constant 128 : i32
        %div3A_555 = arith.divsi %add3A_553, %jit3A_554 : i32
        %sign3A_556 = arith.constant 0 : i32
        %sign3A_557 = arith.cmpi sgt, %add3A_553, %sign3A_556 : i32
        %sign3A_558 = arith.extui %sign3A_557 : i1 to i32
        %sign3A_559 = arith.constant 0 : i32
        %sign3A_560 = arith.cmpi slt, %add3A_553, %sign3A_559 : i32
        %sign3A_561 = arith.extui %sign3A_560 : i1 to i32
        %sign3A_562 = arith.subi %sign3A_558, %sign3A_561 : i32
        %sign3A_563 = arith.constant 0 : i32
        %sign3A_564 = arith.cmpi sgt, %jit3A_554, %sign3A_563 : i32
        %sign3A_565 = arith.extui %sign3A_564 : i1 to i32
        %sign3A_566 = arith.constant 0 : i32
        %sign3A_567 = arith.cmpi slt, %jit3A_554, %sign3A_566 : i32
        %sign3A_568 = arith.extui %sign3A_567 : i1 to i32
        %sign3A_569 = arith.subi %sign3A_565, %sign3A_568 : i32
        %ne3A_570 = arith.cmpi ne, %sign3A_562, %sign3A_569 : i32
        %rem3A_571 = arith.remsi %add3A_553, %jit3A_554 : i32
        %ne3A_572 = arith.constant 0 : i32
        %ne3A_573 = arith.cmpi ne, %rem3A_571, %ne3A_572 : i32
        %and3A_574 = arith.andi %ne3A_570, %ne3A_573 : i1
        %sub3A_575 = arith.constant 1 : i32
        %sub3A_576 = arith.subi %div3A_555, %sub3A_575 : i32
        %select_n3A_577 = arith.select %and3A_574, %sub3A_576, %div3A_555 : i32
        %dma_start3A_578 = arith.constant 0 : i32
        %dma_start3A_579 = arith.constant 0 : i32
        %dma_start3A_580 = arith.constant 0 : i32
        %dma_start3A_581 = arith.constant 0 : i32
        %dma_start3A_582 = tpu.memref_slice %arg9[%dma_start3A_578, %dma_start3A_579, %dma_start3A_580, %dma_start3A_581] : memref<2x16x4x128xf32, #tpu.memory_space<vmem>> -> memref<1x16x4x128xf32, #tpu.memory_space<vmem>>
        %dma_start3A_583 = tpu.memref_squeeze %dma_start3A_582 : memref<1x16x4x128xf32, #tpu.memory_space<vmem>> -> memref<16x4x128xf32, #tpu.memory_space<vmem>>
        %dma_start3A_584 = arith.constant 0 : i32
        %dma_start3A_585 = arith.constant 0 : i32
        %dma_start3A_586 = tpu.memref_slice %arg4[%select_n3A_577, %dma_start3A_584, %dma_start3A_585] : memref<32768x4x128xf32, #tpu.memory_space<hbm>> -> memref<16x4x128xf32, #tpu.memory_space<hbm>>
        %dma_start3A_587 = arith.constant 0 : i32
        %dma_start3A_588 = arith.constant 0 : i32
        %dma_start3A_589 = tpu.memref_slice %arg4[%select_n3A_577, %dma_start3A_587, %dma_start3A_588] : memref<32768x4x128xf32, #tpu.memory_space<hbm>> -> memref<16x4x128xf32, #tpu.memory_space<hbm>>
        %dma_start3A_590 = arith.constant 0 : i32
        %dma_start3A_591 = arith.constant 0 : i32
        %dma_start3A_592 = arith.constant 0 : i32
        %dma_start3A_593 = tpu.memref_slice %arg9[%dma_start3A_578, %dma_start3A_590, %dma_start3A_591, %dma_start3A_592] : memref<2x16x4x128xf32, #tpu.memory_space<vmem>> -> memref<1x16x4x128xf32, #tpu.memory_space<vmem>>
        %dma_start3A_594 = tpu.memref_squeeze %dma_start3A_593 : memref<1x16x4x128xf32, #tpu.memory_space<vmem>> -> memref<16x4x128xf32, #tpu.memory_space<vmem>>
        tpu.enqueue_dma source(%dma_start3A_594 : memref<16x4x128xf32, #tpu.memory_space<vmem>>) target(%dma_start3A_589 : memref<16x4x128xf32, #tpu.memory_space<hbm>>) target_semaphore(%arg13 : memref<!tpu.dma_semaphore, #tpu.memory_space<semaphore_mem>>)
      } else {
      }
    }
    %scan3A_40 = arith.constant 32 : i32
    %dma_wait3A = arith.constant 1 : i32
    %dma_wait3A_41 = arith.constant 1 : i32
    %dma_wait3A_42 = arith.constant 0 : i32
    %dma_wait3A_43 = arith.constant 0 : i32
    %dma_wait3A_44 = tpu.memref_slice %arg8[%dma_wait3A_41, %dma_wait3A_42, %dma_wait3A_43] : memref<2x2048x8xf32, #tpu.memory_space<vmem>> -> memref<1x512x8xf32, #tpu.memory_space<vmem>>
    %dma_wait3A_45 = tpu.memref_squeeze %dma_wait3A_44 : memref<1x512x8xf32, #tpu.memory_space<vmem>> -> memref<512x8xf32, #tpu.memory_space<vmem>>
    %dma_wait3A_46 = arith.constant 0 : i32
    %dma_wait3A_47 = tpu.memref_slice %arg6[%dma_wait3A, %dma_wait3A_46] : memref<2x2048xi32, #tpu.memory_space<vmem>> -> memref<1x512xi32, #tpu.memory_space<vmem>>
    %dma_wait3A_48 = tpu.memref_squeeze %dma_wait3A_47 : memref<1x512xi32, #tpu.memory_space<vmem>> -> memref<512xi32, #tpu.memory_space<vmem>>
    %dma_wait3A_49 = arith.constant 0 : i32
    %dma_wait3A_50 = arith.constant 0 : i32
    %dma_wait3A_51 = tpu.memref_slice %arg3[%dma_wait3A_49, %dma_wait3A_50] : memref<500004x8xf32, #tpu.memory_space<hbm>> -> memref<500004x8xf32, #tpu.memory_space<hbm>>
    tpu.wait_indirect_dma semaphore(%arg12 : memref<!tpu.dma_semaphore, #tpu.memory_space<semaphore_mem>>) src(%dma_wait3A_51 : memref<500004x8xf32, #tpu.memory_space<hbm>>) dst(%dma_wait3A_45 : memref<512x8xf32, #tpu.memory_space<vmem>>)
    %dma_wait3A_52 = arith.constant 1 : i32
    %dma_wait3A_53 = arith.constant 1 : i32
    %dma_wait3A_54 = arith.constant 512 : i32
    %dma_wait3A_55 = arith.constant 0 : i32
    %dma_wait3A_56 = tpu.memref_slice %arg8[%dma_wait3A_53, %dma_wait3A_54, %dma_wait3A_55] : memref<2x2048x8xf32, #tpu.memory_space<vmem>> -> memref<1x512x8xf32, #tpu.memory_space<vmem>>
    %dma_wait3A_57 = tpu.memref_squeeze %dma_wait3A_56 : memref<1x512x8xf32, #tpu.memory_space<vmem>> -> memref<512x8xf32, #tpu.memory_space<vmem>>
    %dma_wait3A_58 = arith.constant 512 : i32
    %dma_wait3A_59 = tpu.memref_slice %arg6[%dma_wait3A_52, %dma_wait3A_58] : memref<2x2048xi32, #tpu.memory_space<vmem>> -> memref<1x512xi32, #tpu.memory_space<vmem>>
    %dma_wait3A_60 = tpu.memref_squeeze %dma_wait3A_59 : memref<1x512xi32, #tpu.memory_space<vmem>> -> memref<512xi32, #tpu.memory_space<vmem>>
    %dma_wait3A_61 = arith.constant 0 : i32
    %dma_wait3A_62 = arith.constant 0 : i32
    %dma_wait3A_63 = tpu.memref_slice %arg3[%dma_wait3A_61, %dma_wait3A_62] : memref<500004x8xf32, #tpu.memory_space<hbm>> -> memref<500004x8xf32, #tpu.memory_space<hbm>>
    tpu.wait_indirect_dma semaphore(%arg12 : memref<!tpu.dma_semaphore, #tpu.memory_space<semaphore_mem>>) src(%dma_wait3A_63 : memref<500004x8xf32, #tpu.memory_space<hbm>>) dst(%dma_wait3A_57 : memref<512x8xf32, #tpu.memory_space<vmem>>)
    %dma_wait3A_64 = arith.constant 1 : i32
    %dma_wait3A_65 = arith.constant 1 : i32
    %dma_wait3A_66 = arith.constant 1024 : i32
    %dma_wait3A_67 = arith.constant 0 : i32
    %dma_wait3A_68 = tpu.memref_slice %arg8[%dma_wait3A_65, %dma_wait3A_66, %dma_wait3A_67] : memref<2x2048x8xf32, #tpu.memory_space<vmem>> -> memref<1x512x8xf32, #tpu.memory_space<vmem>>
    %dma_wait3A_69 = tpu.memref_squeeze %dma_wait3A_68 : memref<1x512x8xf32, #tpu.memory_space<vmem>> -> memref<512x8xf32, #tpu.memory_space<vmem>>
    %dma_wait3A_70 = arith.constant 1024 : i32
    %dma_wait3A_71 = tpu.memref_slice %arg6[%dma_wait3A_64, %dma_wait3A_70] : memref<2x2048xi32, #tpu.memory_space<vmem>> -> memref<1x512xi32, #tpu.memory_space<vmem>>
    %dma_wait3A_72 = tpu.memref_squeeze %dma_wait3A_71 : memref<1x512xi32, #tpu.memory_space<vmem>> -> memref<512xi32, #tpu.memory_space<vmem>>
    %dma_wait3A_73 = arith.constant 0 : i32
    %dma_wait3A_74 = arith.constant 0 : i32
    %dma_wait3A_75 = tpu.memref_slice %arg3[%dma_wait3A_73, %dma_wait3A_74] : memref<500004x8xf32, #tpu.memory_space<hbm>> -> memref<500004x8xf32, #tpu.memory_space<hbm>>
    tpu.wait_indirect_dma semaphore(%arg12 : memref<!tpu.dma_semaphore, #tpu.memory_space<semaphore_mem>>) src(%dma_wait3A_75 : memref<500004x8xf32, #tpu.memory_space<hbm>>) dst(%dma_wait3A_69 : memref<512x8xf32, #tpu.memory_space<vmem>>)
    %dma_wait3A_76 = arith.constant 1 : i32
    %dma_wait3A_77 = arith.constant 1 : i32
    %dma_wait3A_78 = arith.constant 1536 : i32
    %dma_wait3A_79 = arith.constant 0 : i32
    %dma_wait3A_80 = tpu.memref_slice %arg8[%dma_wait3A_77, %dma_wait3A_78, %dma_wait3A_79] : memref<2x2048x8xf32, #tpu.memory_space<vmem>> -> memref<1x512x8xf32, #tpu.memory_space<vmem>>
    %dma_wait3A_81 = tpu.memref_squeeze %dma_wait3A_80 : memref<1x512x8xf32, #tpu.memory_space<vmem>> -> memref<512x8xf32, #tpu.memory_space<vmem>>
    %dma_wait3A_82 = arith.constant 1536 : i32
    %dma_wait3A_83 = tpu.memref_slice %arg6[%dma_wait3A_76, %dma_wait3A_82] : memref<2x2048xi32, #tpu.memory_space<vmem>> -> memref<1x512xi32, #tpu.memory_space<vmem>>
    %dma_wait3A_84 = tpu.memref_squeeze %dma_wait3A_83 : memref<1x512xi32, #tpu.memory_space<vmem>> -> memref<512xi32, #tpu.memory_space<vmem>>
    %dma_wait3A_85 = arith.constant 0 : i32
    %dma_wait3A_86 = arith.constant 0 : i32
    %dma_wait3A_87 = tpu.memref_slice %arg3[%dma_wait3A_85, %dma_wait3A_86] : memref<500004x8xf32, #tpu.memory_space<hbm>> -> memref<500004x8xf32, #tpu.memory_space<hbm>>
    tpu.wait_indirect_dma semaphore(%arg12 : memref<!tpu.dma_semaphore, #tpu.memory_space<semaphore_mem>>) src(%dma_wait3A_87 : memref<500004x8xf32, #tpu.memory_space<hbm>>) dst(%dma_wait3A_81 : memref<512x8xf32, #tpu.memory_space<vmem>>)
    %add3A_88 = arith.constant 124928 : i32
    %add3A_89 = arith.addi %mul3A_2, %add3A_88 : i32
    %jit3A_90 = arith.constant 128 : i32
    %div3A_91 = arith.divsi %add3A_89, %jit3A_90 : i32
    %sign3A_92 = arith.constant 0 : i32
    %sign3A_93 = arith.cmpi sgt, %add3A_89, %sign3A_92 : i32
    %sign3A_94 = arith.extui %sign3A_93 : i1 to i32
    %sign3A_95 = arith.constant 0 : i32
    %sign3A_96 = arith.cmpi slt, %add3A_89, %sign3A_95 : i32
    %sign3A_97 = arith.extui %sign3A_96 : i1 to i32
    %sign3A_98 = arith.subi %sign3A_94, %sign3A_97 : i32
    %sign3A_99 = arith.constant 0 : i32
    %sign3A_100 = arith.cmpi sgt, %jit3A_90, %sign3A_99 : i32
    %sign3A_101 = arith.extui %sign3A_100 : i1 to i32
    %sign3A_102 = arith.constant 0 : i32
    %sign3A_103 = arith.cmpi slt, %jit3A_90, %sign3A_102 : i32
    %sign3A_104 = arith.extui %sign3A_103 : i1 to i32
    %sign3A_105 = arith.subi %sign3A_101, %sign3A_104 : i32
    %ne3A_106 = arith.cmpi ne, %sign3A_98, %sign3A_105 : i32
    %rem3A_107 = arith.remsi %add3A_89, %jit3A_90 : i32
    %ne3A_108 = arith.constant 0 : i32
    %ne3A_109 = arith.cmpi ne, %rem3A_107, %ne3A_108 : i32
    %and3A_110 = arith.andi %ne3A_106, %ne3A_109 : i1
    %sub3A_111 = arith.constant 1 : i32
    %sub3A_112 = arith.subi %div3A_91, %sub3A_111 : i32
    %select_n3A_113 = arith.select %and3A_110, %sub3A_112, %div3A_91 : i32
    %dma_wait3A_114 = arith.constant 1 : i32
    %dma_wait3A_115 = arith.constant 0 : i32
    %dma_wait3A_116 = arith.constant 0 : i32
    %dma_wait3A_117 = arith.constant 0 : i32
    %dma_wait3A_118 = tpu.memref_slice %arg9[%dma_wait3A_114, %dma_wait3A_115, %dma_wait3A_116, %dma_wait3A_117] : memref<2x16x4x128xf32, #tpu.memory_space<vmem>> -> memref<1x16x4x128xf32, #tpu.memory_space<vmem>>
    %dma_wait3A_119 = tpu.memref_squeeze %dma_wait3A_118 : memref<1x16x4x128xf32, #tpu.memory_space<vmem>> -> memref<16x4x128xf32, #tpu.memory_space<vmem>>
    %dma_wait3A_120 = arith.constant 0 : i32
    %dma_wait3A_121 = arith.constant 0 : i32
    %dma_wait3A_122 = tpu.memref_slice %arg4[%select_n3A_113, %dma_wait3A_120, %dma_wait3A_121] : memref<32768x4x128xf32, #tpu.memory_space<hbm>> -> memref<16x4x128xf32, #tpu.memory_space<hbm>>
    %dma_wait3A_123 = arith.constant 0 : i32
    %dma_wait3A_124 = arith.constant 0 : i32
    %dma_wait3A_125 = tpu.memref_slice %arg4[%select_n3A_113, %dma_wait3A_123, %dma_wait3A_124] : memref<32768x4x128xf32, #tpu.memory_space<hbm>> -> memref<16x4x128xf32, #tpu.memory_space<hbm>>
    %dma_wait3A_126 = arith.constant 0 : i32
    %dma_wait3A_127 = arith.constant 0 : i32
    %dma_wait3A_128 = arith.constant 0 : i32
    %dma_wait3A_129 = tpu.memref_slice %arg9[%dma_wait3A_114, %dma_wait3A_126, %dma_wait3A_127, %dma_wait3A_128] : memref<2x16x4x128xf32, #tpu.memory_space<vmem>> -> memref<1x16x4x128xf32, #tpu.memory_space<vmem>>
    %dma_wait3A_130 = tpu.memref_squeeze %dma_wait3A_129 : memref<1x16x4x128xf32, #tpu.memory_space<vmem>> -> memref<16x4x128xf32, #tpu.memory_space<vmem>>
    tpu.wait_dma2 semaphore(%arg14 : memref<!tpu.dma_semaphore, #tpu.memory_space<semaphore_mem>>) src(%dma_wait3A_130 : memref<16x4x128xf32, #tpu.memory_space<vmem>>) dst(%dma_wait3A_125 : memref<16x4x128xf32, #tpu.memory_space<hbm>>)
    %scan3A_131 = arith.constant 0 : i32
    %scan3A_132 = arith.constant 128 : i32
    %scan3A_133 = arith.addi %scan3A_131, %scan3A_132 : i32
    %scan3A_134 = arith.constant 1 : i32
    scf.for %scan3A_265 = %scan3A_131 to %scan3A_133 step %scan3A_134  : i32 {
      %mul3A_266 = arith.constant 1 : i32
      %mul3A_267 = arith.muli %scan3A_265, %mul3A_266 : i32
      %add3A_268 = arith.constant 0 : i32
      %add3A_269 = arith.addi %add3A_268, %mul3A_267 : i32
      %mul3A_270 = arith.constant 16 : i32
      %mul3A_271 = arith.muli %add3A_269, %mul3A_270 : i32
      %mul3A_272 = arith.constant 16 : i32
      %mul3A_273 = arith.muli %add3A_269, %mul3A_272 : i32
      %add3A_274 = vector.broadcast %mul3A_273 : i32 to vector<16xi32>
      %add3A_275 = arith.addi %iota3A, %add3A_274 : vector<16xi32>
      %get3A = arith.constant 1 : i32
      %get3A_276 = arith.index_cast %get3A : i32 to index
      %get3A_277 = arith.index_cast %mul3A_271 : i32 to index
      %get3A_278 = tpu.vector_load %arg7[%get3A_276, %get3A_277] {strides = array<i32>} : memref<2x2048xi32, #tpu.memory_space<vmem>>, vector<16xi32>,
      %jit3A_279 = arith.constant 8 : i32
      %div3A_280 = arith.divsi %add3A_269, %jit3A_279 : i32
      %sign3A_281 = arith.constant 0 : i32
      %sign3A_282 = arith.cmpi sgt, %add3A_269, %sign3A_281 : i32
      %sign3A_283 = arith.extui %sign3A_282 : i1 to i32
      %sign3A_284 = arith.constant 0 : i32
      %sign3A_285 = arith.cmpi slt, %add3A_269, %sign3A_284 : i32
      %sign3A_286 = arith.extui %sign3A_285 : i1 to i32
      %sign3A_287 = arith.subi %sign3A_283, %sign3A_286 : i32
      %sign3A_288 = arith.constant 0 : i32
      %sign3A_289 = arith.cmpi sgt, %jit3A_279, %sign3A_288 : i32
      %sign3A_290 = arith.extui %sign3A_289 : i1 to i32
      %sign3A_291 = arith.constant 0 : i32
      %sign3A_292 = arith.cmpi slt, %jit3A_279, %sign3A_291 : i32
      %sign3A_293 = arith.extui %sign3A_292 : i1 to i32
      %sign3A_294 = arith.subi %sign3A_290, %sign3A_293 : i32
      %ne3A_295 = arith.cmpi ne, %sign3A_287, %sign3A_294 : i32
      %rem3A_296 = arith.remsi %add3A_269, %jit3A_279 : i32
      %ne3A_297 = arith.constant 0 : i32
      %ne3A_298 = arith.cmpi ne, %rem3A_296, %ne3A_297 : i32
      %and3A_299 = arith.andi %ne3A_295, %ne3A_298 : i1
      %sub3A_300 = arith.constant 1 : i32
      %sub3A_301 = arith.subi %div3A_280, %sub3A_300 : i32
      %select_n3A_302 = arith.select %and3A_299, %sub3A_301, %div3A_280 : i32
      %jit3A_303 = arith.constant 8 : i32
      %eq3A = arith.constant 0 : i32
      %eq3A_304 = arith.cmpi eq, %jit3A_303, %eq3A : i32
      %jit3A_305 = arith.constant 1 : i32
      %select_n3A_306 = arith.select %eq3A_304, %jit3A_305, %jit3A_303 : i32
      %rem3A_307 = arith.remsi %add3A_269, %select_n3A_306 : i32
      %ne3A_308 = arith.constant 0 : i32
      %ne3A_309 = arith.cmpi ne, %rem3A_307, %ne3A_308 : i32
      %lt3A = arith.constant 0 : i32
      %lt3A_310 = arith.cmpi slt, %rem3A_307, %lt3A : i32
      %lt3A_311 = arith.constant 0 : i32
      %lt3A_312 = arith.cmpi slt, %select_n3A_306, %lt3A_311 : i32
      %ne3A_313 = arith.xori %lt3A_310, %lt3A_312 : i1
      %and3A_314 = arith.andi %ne3A_313, %ne3A_309 : i1
      %add3A_315 = arith.addi %rem3A_307, %select_n3A_306 : i32
      %select_n3A_316 = arith.select %and3A_314, %add3A_315, %rem3A_307 : i32
      %mul3A_317 = arith.constant 16 : i32
      %mul3A_318 = arith.muli %select_n3A_316, %mul3A_317 : i32
      %add3A_319 = arith.constant 0 : i32
      %add3A_320 = vector.broadcast %add3A_319 : i32 to vector<16xi32>
      %add3A_321 = arith.addi %get3A_278, %add3A_320 : vector<16xi32>
      %gather3A = arith.constant 1 : i32
      %gather3A_322 = arith.constant 0 : i32
      %gather3A_323 = arith.constant 0 : i32
      %gather3A_324 = tpu.memref_slice %arg8[%gather3A, %gather3A_322, %gather3A_323] : memref<2x2048x8xf32, #tpu.memory_space<vmem>> -> memref<1x2048x8xf32, #tpu.memory_space<vmem>>
      %gather3A_325 = tpu.memref_squeeze %gather3A_324 : memref<1x2048x8xf32, #tpu.memory_space<vmem>> -> memref<2048x8xf32, #tpu.memory_space<vmem>>
      %gather3A_326 = tpu.vector_load_idx %gather3A_325[%add3A_275, %add3A_321] : memref<2048x8xf32, #tpu.memory_space<vmem>>[vector<16xi32>, vector<16xi32>], vector<16xf32>,
      %neg3A = arith.constant 0.000000e+00 : f32
      %neg3A_327 = vector.broadcast %neg3A : f32 to vector<16xf32>
      %neg3A_328 = arith.subf %neg3A_327, %gather3A_326 : vector<16xf32>
      %exp3A = math.exp %neg3A_328 : vector<16xf32>
      %add3A_329 = arith.constant 1.000000e+00 : f32
      %add3A_330 = vector.broadcast %add3A_329 : f32 to vector<16xf32>
      %add3A_331 = arith.addf %add3A_330, %exp3A : vector<16xf32>
      %div3A_332 = arith.constant 1.000000e+00 : f32
      %div3A_333 = vector.broadcast %div3A_332 : f32 to vector<16xf32>
      %div3A_334 = arith.divf %div3A_333, %add3A_331 : vector<16xf32>
      %swap3A = arith.constant 1 : i32
      %swap3A_335 = arith.constant 0 : i32
      %swap3A_336 = arith.index_cast %swap3A : i32 to index
      %swap3A_337 = arith.index_cast %select_n3A_302 : i32 to index
      %swap3A_338 = arith.index_cast %swap3A_335 : i32 to index
      %swap3A_339 = arith.index_cast %mul3A_318 : i32 to index
      %swap3A_340 = tpu.vector_load %arg9[%swap3A_336, %swap3A_337, %swap3A_338, %swap3A_339] {strides = array<i32>} : memref<2x16x4x128xf32, #tpu.memory_space<vmem>>, vector<16xf32>,
      tpu.vector_store %arg9[%swap3A_336, %swap3A_337, %swap3A_338, %swap3A_339], %div3A_334 {strides = array<i32>} : memref<2x16x4x128xf32, #tpu.memory_space<vmem>>, vector<16xf32>,
      %add3A_341 = arith.constant 1 : i32
      %add3A_342 = vector.broadcast %add3A_341 : i32 to vector<16xi32>
      %add3A_343 = arith.addi %get3A_278, %add3A_342 : vector<16xi32>
      %gather3A_344 = arith.constant 1 : i32
      %gather3A_345 = arith.constant 0 : i32
      %gather3A_346 = arith.constant 0 : i32
      %gather3A_347 = tpu.memref_slice %arg8[%gather3A_344, %gather3A_345, %gather3A_346] : memref<2x2048x8xf32, #tpu.memory_space<vmem>> -> memref<1x2048x8xf32, #tpu.memory_space<vmem>>
      %gather3A_348 = tpu.memref_squeeze %gather3A_347 : memref<1x2048x8xf32, #tpu.memory_space<vmem>> -> memref<2048x8xf32, #tpu.memory_space<vmem>>
      %gather3A_349 = tpu.vector_load_idx %gather3A_348[%add3A_275, %add3A_343] : memref<2048x8xf32, #tpu.memory_space<vmem>>[vector<16xi32>, vector<16xi32>], vector<16xf32>,
      %neg3A_350 = arith.constant 0.000000e+00 : f32
      %neg3A_351 = vector.broadcast %neg3A_350 : f32 to vector<16xf32>
      %neg3A_352 = arith.subf %neg3A_351, %gather3A_349 : vector<16xf32>
      %exp3A_353 = math.exp %neg3A_352 : vector<16xf32>
      %add3A_354 = arith.constant 1.000000e+00 : f32
      %add3A_355 = vector.broadcast %add3A_354 : f32 to vector<16xf32>
      %add3A_356 = arith.addf %add3A_355, %exp3A_353 : vector<16xf32>
      %div3A_357 = arith.constant 1.000000e+00 : f32
      %div3A_358 = vector.broadcast %div3A_357 : f32 to vector<16xf32>
      %div3A_359 = arith.divf %div3A_358, %add3A_356 : vector<16xf32>
      %swap3A_360 = arith.constant 1 : i32
      %swap3A_361 = arith.constant 1 : i32
      %swap3A_362 = arith.index_cast %swap3A_360 : i32 to index
      %swap3A_363 = arith.index_cast %select_n3A_302 : i32 to index
      %swap3A_364 = arith.index_cast %swap3A_361 : i32 to index
      %swap3A_365 = arith.index_cast %mul3A_318 : i32 to index
      %swap3A_366 = tpu.vector_load %arg9[%swap3A_362, %swap3A_363, %swap3A_364, %swap3A_365] {strides = array<i32>} : memref<2x16x4x128xf32, #tpu.memory_space<vmem>>, vector<16xf32>,
      tpu.vector_store %arg9[%swap3A_362, %swap3A_363, %swap3A_364, %swap3A_365], %div3A_359 {strides = array<i32>} : memref<2x16x4x128xf32, #tpu.memory_space<vmem>>, vector<16xf32>,
      %add3A_367 = arith.constant 2 : i32
      %add3A_368 = vector.broadcast %add3A_367 : i32 to vector<16xi32>
      %add3A_369 = arith.addi %get3A_278, %add3A_368 : vector<16xi32>
      %gather3A_370 = arith.constant 1 : i32
      %gather3A_371 = arith.constant 0 : i32
      %gather3A_372 = arith.constant 0 : i32
      %gather3A_373 = tpu.memref_slice %arg8[%gather3A_370, %gather3A_371, %gather3A_372] : memref<2x2048x8xf32, #tpu.memory_space<vmem>> -> memref<1x2048x8xf32, #tpu.memory_space<vmem>>
      %gather3A_374 = tpu.memref_squeeze %gather3A_373 : memref<1x2048x8xf32, #tpu.memory_space<vmem>> -> memref<2048x8xf32, #tpu.memory_space<vmem>>
      %gather3A_375 = tpu.vector_load_idx %gather3A_374[%add3A_275, %add3A_369] : memref<2048x8xf32, #tpu.memory_space<vmem>>[vector<16xi32>, vector<16xi32>], vector<16xf32>,
      %neg3A_376 = arith.constant 0.000000e+00 : f32
      %neg3A_377 = vector.broadcast %neg3A_376 : f32 to vector<16xf32>
      %neg3A_378 = arith.subf %neg3A_377, %gather3A_375 : vector<16xf32>
      %exp3A_379 = math.exp %neg3A_378 : vector<16xf32>
      %add3A_380 = arith.constant 1.000000e+00 : f32
      %add3A_381 = vector.broadcast %add3A_380 : f32 to vector<16xf32>
      %add3A_382 = arith.addf %add3A_381, %exp3A_379 : vector<16xf32>
      %div3A_383 = arith.constant 1.000000e+00 : f32
      %div3A_384 = vector.broadcast %div3A_383 : f32 to vector<16xf32>
      %div3A_385 = arith.divf %div3A_384, %add3A_382 : vector<16xf32>
      %swap3A_386 = arith.constant 1 : i32
      %swap3A_387 = arith.constant 2 : i32
      %swap3A_388 = arith.index_cast %swap3A_386 : i32 to index
      %swap3A_389 = arith.index_cast %select_n3A_302 : i32 to index
      %swap3A_390 = arith.index_cast %swap3A_387 : i32 to index
      %swap3A_391 = arith.index_cast %mul3A_318 : i32 to index
      %swap3A_392 = tpu.vector_load %arg9[%swap3A_388, %swap3A_389, %swap3A_390, %swap3A_391] {strides = array<i32>} : memref<2x16x4x128xf32, #tpu.memory_space<vmem>>, vector<16xf32>,
      tpu.vector_store %arg9[%swap3A_388, %swap3A_389, %swap3A_390, %swap3A_391], %div3A_385 {strides = array<i32>} : memref<2x16x4x128xf32, #tpu.memory_space<vmem>>, vector<16xf32>,
      %add3A_393 = arith.constant 3 : i32
      %add3A_394 = vector.broadcast %add3A_393 : i32 to vector<16xi32>
      %add3A_395 = arith.addi %get3A_278, %add3A_394 : vector<16xi32>
      %gather3A_396 = arith.constant 1 : i32
      %gather3A_397 = arith.constant 0 : i32
      %gather3A_398 = arith.constant 0 : i32
      %gather3A_399 = tpu.memref_slice %arg8[%gather3A_396, %gather3A_397, %gather3A_398] : memref<2x2048x8xf32, #tpu.memory_space<vmem>> -> memref<1x2048x8xf32, #tpu.memory_space<vmem>>
      %gather3A_400 = tpu.memref_squeeze %gather3A_399 : memref<1x2048x8xf32, #tpu.memory_space<vmem>> -> memref<2048x8xf32, #tpu.memory_space<vmem>>
      %gather3A_401 = tpu.vector_load_idx %gather3A_400[%add3A_275, %add3A_395] : memref<2048x8xf32, #tpu.memory_space<vmem>>[vector<16xi32>, vector<16xi32>], vector<16xf32>,
      %max3A = arith.constant 0.000000e+00 : f32
      %max3A_402 = vector.broadcast %max3A : f32 to vector<16xf32>
      %max3A_403 = arith.maximumf %gather3A_401, %max3A_402 : vector<16xf32>
      %swap3A_404 = arith.constant 1 : i32
      %swap3A_405 = arith.constant 3 : i32
      %swap3A_406 = arith.index_cast %swap3A_404 : i32 to index
      %swap3A_407 = arith.index_cast %select_n3A_302 : i32 to index
      %swap3A_408 = arith.index_cast %swap3A_405 : i32 to index
      %swap3A_409 = arith.index_cast %mul3A_318 : i32 to index
      %swap3A_410 = tpu.vector_load %arg9[%swap3A_406, %swap3A_407, %swap3A_408, %swap3A_409] {strides = array<i32>} : memref<2x16x4x128xf32, #tpu.memory_space<vmem>>, vector<16xf32>,
      tpu.vector_store %arg9[%swap3A_406, %swap3A_407, %swap3A_408, %swap3A_409], %max3A_403 {strides = array<i32>} : memref<2x16x4x128xf32, #tpu.memory_space<vmem>>, vector<16xf32>,
    }
    %scan3A_135 = arith.constant 128 : i32
    %add3A_136 = arith.constant 129024 : i32
    %add3A_137 = arith.addi %mul3A_2, %add3A_136 : i32
    %jit3A_138 = arith.constant 128 : i32
    %div3A_139 = arith.divsi %add3A_137, %jit3A_138 : i32
    %sign3A_140 = arith.constant 0 : i32
    %sign3A_141 = arith.cmpi sgt, %add3A_137, %sign3A_140 : i32
    %sign3A_142 = arith.extui %sign3A_141 : i1 to i32
    %sign3A_143 = arith.constant 0 : i32
    %sign3A_144 = arith.cmpi slt, %add3A_137, %sign3A_143 : i32
    %sign3A_145 = arith.extui %sign3A_144 : i1 to i32
    %sign3A_146 = arith.subi %sign3A_142, %sign3A_145 : i32
    %sign3A_147 = arith.constant 0 : i32
    %sign3A_148 = arith.cmpi sgt, %jit3A_138, %sign3A_147 : i32
    %sign3A_149 = arith.extui %sign3A_148 : i1 to i32
    %sign3A_150 = arith.constant 0 : i32
    %sign3A_151 = arith.cmpi slt, %jit3A_138, %sign3A_150 : i32
    %sign3A_152 = arith.extui %sign3A_151 : i1 to i32
    %sign3A_153 = arith.subi %sign3A_149, %sign3A_152 : i32
    %ne3A_154 = arith.cmpi ne, %sign3A_146, %sign3A_153 : i32
    %rem3A_155 = arith.remsi %add3A_137, %jit3A_138 : i32
    %ne3A_156 = arith.constant 0 : i32
    %ne3A_157 = arith.cmpi ne, %rem3A_155, %ne3A_156 : i32
    %and3A_158 = arith.andi %ne3A_154, %ne3A_157 : i1
    %sub3A_159 = arith.constant 1 : i32
    %sub3A_160 = arith.subi %div3A_139, %sub3A_159 : i32
    %select_n3A_161 = arith.select %and3A_158, %sub3A_160, %div3A_139 : i32
    %dma_start3A_162 = arith.constant 1 : i32
    %dma_start3A_163 = arith.constant 0 : i32
    %dma_start3A_164 = arith.constant 0 : i32
    %dma_start3A_165 = arith.constant 0 : i32
    %dma_start3A_166 = tpu.memref_slice %arg9[%dma_start3A_162, %dma_start3A_163, %dma_start3A_164, %dma_start3A_165] : memref<2x16x4x128xf32, #tpu.memory_space<vmem>> -> memref<1x16x4x128xf32, #tpu.memory_space<vmem>>
    %dma_start3A_167 = tpu.memref_squeeze %dma_start3A_166 : memref<1x16x4x128xf32, #tpu.memory_space<vmem>> -> memref<16x4x128xf32, #tpu.memory_space<vmem>>
    %dma_start3A_168 = arith.constant 0 : i32
    %dma_start3A_169 = arith.constant 0 : i32
    %dma_start3A_170 = tpu.memref_slice %arg4[%select_n3A_161, %dma_start3A_168, %dma_start3A_169] : memref<32768x4x128xf32, #tpu.memory_space<hbm>> -> memref<16x4x128xf32, #tpu.memory_space<hbm>>
    %dma_start3A_171 = arith.constant 0 : i32
    %dma_start3A_172 = arith.constant 0 : i32
    %dma_start3A_173 = tpu.memref_slice %arg4[%select_n3A_161, %dma_start3A_171, %dma_start3A_172] : memref<32768x4x128xf32, #tpu.memory_space<hbm>> -> memref<16x4x128xf32, #tpu.memory_space<hbm>>
    %dma_start3A_174 = arith.constant 0 : i32
    %dma_start3A_175 = arith.constant 0 : i32
    %dma_start3A_176 = arith.constant 0 : i32
    %dma_start3A_177 = tpu.memref_slice %arg9[%dma_start3A_162, %dma_start3A_174, %dma_start3A_175, %dma_start3A_176] : memref<2x16x4x128xf32, #tpu.memory_space<vmem>> -> memref<1x16x4x128xf32, #tpu.memory_space<vmem>>
    %dma_start3A_178 = tpu.memref_squeeze %dma_start3A_177 : memref<1x16x4x128xf32, #tpu.memory_space<vmem>> -> memref<16x4x128xf32, #tpu.memory_space<vmem>>
    tpu.enqueue_dma source(%dma_start3A_178 : memref<16x4x128xf32, #tpu.memory_space<vmem>>) target(%dma_start3A_173 : memref<16x4x128xf32, #tpu.memory_space<hbm>>) target_semaphore(%arg14 : memref<!tpu.dma_semaphore, #tpu.memory_space<semaphore_mem>>)
    %add3A_179 = arith.constant 126976 : i32
    %add3A_180 = arith.addi %mul3A_2, %add3A_179 : i32
    %jit3A_181 = arith.constant 128 : i32
    %div3A_182 = arith.divsi %add3A_180, %jit3A_181 : i32
    %sign3A_183 = arith.constant 0 : i32
    %sign3A_184 = arith.cmpi sgt, %add3A_180, %sign3A_183 : i32
    %sign3A_185 = arith.extui %sign3A_184 : i1 to i32
    %sign3A_186 = arith.constant 0 : i32
    %sign3A_187 = arith.cmpi slt, %add3A_180, %sign3A_186 : i32
    %sign3A_188 = arith.extui %sign3A_187 : i1 to i32
    %sign3A_189 = arith.subi %sign3A_185, %sign3A_188 : i32
    %sign3A_190 = arith.constant 0 : i32
    %sign3A_191 = arith.cmpi sgt, %jit3A_181, %sign3A_190 : i32
    %sign3A_192 = arith.extui %sign3A_191 : i1 to i32
    %sign3A_193 = arith.constant 0 : i32
    %sign3A_194 = arith.cmpi slt, %jit3A_181, %sign3A_193 : i32
    %sign3A_195 = arith.extui %sign3A_194 : i1 to i32
    %sign3A_196 = arith.subi %sign3A_192, %sign3A_195 : i32
    %ne3A_197 = arith.cmpi ne, %sign3A_189, %sign3A_196 : i32
    %rem3A_198 = arith.remsi %add3A_180, %jit3A_181 : i32
    %ne3A_199 = arith.constant 0 : i32
    %ne3A_200 = arith.cmpi ne, %rem3A_198, %ne3A_199 : i32
    %and3A_201 = arith.andi %ne3A_197, %ne3A_200 : i1
    %sub3A_202 = arith.constant 1 : i32
    %sub3A_203 = arith.subi %div3A_182, %sub3A_202 : i32
    %select_n3A_204 = arith.select %and3A_201, %sub3A_203, %div3A_182 : i32
    %dma_wait3A_205 = arith.constant 0 : i32
    %dma_wait3A_206 = arith.constant 0 : i32
    %dma_wait3A_207 = arith.constant 0 : i32
    %dma_wait3A_208 = arith.constant 0 : i32
    %dma_wait3A_209 = tpu.memref_slice %arg9[%dma_wait3A_205, %dma_wait3A_206, %dma_wait3A_207, %dma_wait3A_208] : memref<2x16x4x128xf32, #tpu.memory_space<vmem>> -> memref<1x16x4x128xf32, #tpu.memory_space<vmem>>
    %dma_wait3A_210 = tpu.memref_squeeze %dma_wait3A_209 : memref<1x16x4x128xf32, #tpu.memory_space<vmem>> -> memref<16x4x128xf32, #tpu.memory_space<vmem>>
    %dma_wait3A_211 = arith.constant 0 : i32
    %dma_wait3A_212 = arith.constant 0 : i32
    %dma_wait3A_213 = tpu.memref_slice %arg4[%select_n3A_204, %dma_wait3A_211, %dma_wait3A_212] : memref<32768x4x128xf32, #tpu.memory_space<hbm>> -> memref<16x4x128xf32, #tpu.memory_space<hbm>>
    %dma_wait3A_214 = arith.constant 0 : i32
    %dma_wait3A_215 = arith.constant 0 : i32
    %dma_wait3A_216 = tpu.memref_slice %arg4[%select_n3A_204, %dma_wait3A_214, %dma_wait3A_215] : memref<32768x4x128xf32, #tpu.memory_space<hbm>> -> memref<16x4x128xf32, #tpu.memory_space<hbm>>
    %dma_wait3A_217 = arith.constant 0 : i32
    %dma_wait3A_218 = arith.constant 0 : i32
    %dma_wait3A_219 = arith.constant 0 : i32
    %dma_wait3A_220 = tpu.memref_slice %arg9[%dma_wait3A_205, %dma_wait3A_217, %dma_wait3A_218, %dma_wait3A_219] : memref<2x16x4x128xf32, #tpu.memory_space<vmem>> -> memref<1x16x4x128xf32, #tpu.memory_space<vmem>>
    %dma_wait3A_221 = tpu.memref_squeeze %dma_wait3A_220 : memref<1x16x4x128xf32, #tpu.memory_space<vmem>> -> memref<16x4x128xf32, #tpu.memory_space<vmem>>
    tpu.wait_dma2 semaphore(%arg13 : memref<!tpu.dma_semaphore, #tpu.memory_space<semaphore_mem>>) src(%dma_wait3A_221 : memref<16x4x128xf32, #tpu.memory_space<vmem>>) dst(%dma_wait3A_216 : memref<16x4x128xf32, #tpu.memory_space<hbm>>)
    %add3A_222 = arith.constant 129024 : i32
    %add3A_223 = arith.addi %mul3A_2, %add3A_222 : i32
    %jit3A_224 = arith.constant 128 : i32
    %div3A_225 = arith.divsi %add3A_223, %jit3A_224 : i32
    %sign3A_226 = arith.constant 0 : i32
    %sign3A_227 = arith.cmpi sgt, %add3A_223, %sign3A_226 : i32
    %sign3A_228 = arith.extui %sign3A_227 : i1 to i32
    %sign3A_229 = arith.constant 0 : i32
    %sign3A_230 = arith.cmpi slt, %add3A_223, %sign3A_229 : i32
    %sign3A_231 = arith.extui %sign3A_230 : i1 to i32
    %sign3A_232 = arith.subi %sign3A_228, %sign3A_231 : i32
    %sign3A_233 = arith.constant 0 : i32
    %sign3A_234 = arith.cmpi sgt, %jit3A_224, %sign3A_233 : i32
    %sign3A_235 = arith.extui %sign3A_234 : i1 to i32
    %sign3A_236 = arith.constant 0 : i32
    %sign3A_237 = arith.cmpi slt, %jit3A_224, %sign3A_236 : i32
    %sign3A_238 = arith.extui %sign3A_237 : i1 to i32
    %sign3A_239 = arith.subi %sign3A_235, %sign3A_238 : i32
    %ne3A_240 = arith.cmpi ne, %sign3A_232, %sign3A_239 : i32
    %rem3A_241 = arith.remsi %add3A_223, %jit3A_224 : i32
    %ne3A_242 = arith.constant 0 : i32
    %ne3A_243 = arith.cmpi ne, %rem3A_241, %ne3A_242 : i32
    %and3A_244 = arith.andi %ne3A_240, %ne3A_243 : i1
    %sub3A_245 = arith.constant 1 : i32
    %sub3A_246 = arith.subi %div3A_225, %sub3A_245 : i32
    %select_n3A_247 = arith.select %and3A_244, %sub3A_246, %div3A_225 : i32
    %dma_wait3A_248 = arith.constant 1 : i32
    %dma_wait3A_249 = arith.constant 0 : i32
    %dma_wait3A_250 = arith.constant 0 : i32
    %dma_wait3A_251 = arith.constant 0 : i32
    %dma_wait3A_252 = tpu.memref_slice %arg9[%dma_wait3A_248, %dma_wait3A_249, %dma_wait3A_250, %dma_wait3A_251] : memref<2x16x4x128xf32, #tpu.memory_space<vmem>> -> memref<1x16x4x128xf32, #tpu.memory_space<vmem>>
    %dma_wait3A_253 = tpu.memref_squeeze %dma_wait3A_252 : memref<1x16x4x128xf32, #tpu.memory_space<vmem>> -> memref<16x4x128xf32, #tpu.memory_space<vmem>>
    %dma_wait3A_254 = arith.constant 0 : i32
    %dma_wait3A_255 = arith.constant 0 : i32
    %dma_wait3A_256 = tpu.memref_slice %arg4[%select_n3A_247, %dma_wait3A_254, %dma_wait3A_255] : memref<32768x4x128xf32, #tpu.memory_space<hbm>> -> memref<16x4x128xf32, #tpu.memory_space<hbm>>
    %dma_wait3A_257 = arith.constant 0 : i32
    %dma_wait3A_258 = arith.constant 0 : i32
    %dma_wait3A_259 = tpu.memref_slice %arg4[%select_n3A_247, %dma_wait3A_257, %dma_wait3A_258] : memref<32768x4x128xf32, #tpu.memory_space<hbm>> -> memref<16x4x128xf32, #tpu.memory_space<hbm>>
    %dma_wait3A_260 = arith.constant 0 : i32
    %dma_wait3A_261 = arith.constant 0 : i32
    %dma_wait3A_262 = arith.constant 0 : i32
    %dma_wait3A_263 = tpu.memref_slice %arg9[%dma_wait3A_248, %dma_wait3A_260, %dma_wait3A_261, %dma_wait3A_262] : memref<2x16x4x128xf32, #tpu.memory_space<vmem>> -> memref<1x16x4x128xf32, #tpu.memory_space<vmem>>
    %dma_wait3A_264 = tpu.memref_squeeze %dma_wait3A_263 : memref<1x16x4x128xf32, #tpu.memory_space<vmem>> -> memref<16x4x128xf32, #tpu.memory_space<vmem>>
    tpu.wait_dma2 semaphore(%arg14 : memref<!tpu.dma_semaphore, #tpu.memory_space<semaphore_mem>>) src(%dma_wait3A_264 : memref<16x4x128xf32, #tpu.memory_space<vmem>>) dst(%dma_wait3A_259 : memref<16x4x128xf32, #tpu.memory_space<hbm>>)
    return
  }
}

</mosaic_0001>

<sc_bundles>
// kernel: kernel.3.cloned.1.call-start
scs
__scs_entry_jumppad:
0x0: {  	(pc) =	sbr.rel $0x88, $3  }
0x1: {  	(tag) =	ssettag $0x0;
	lr =	simm.s32 $0x1  }
0x2: {  	[smem:$0x3F9F] =	sst lr;
	_ =	strace $0xD0000000  }
0x3: {  	_ = 	snop  }
0x4: {  	_ = 	snop  }
0x5: {  	_ = 	snop  }
0x6: {  	_ = 	snop  }
0x7: {  	_ = 	snop  }
__scs_overlays_trampoline_lowered:
0x8: {  	[smem:$0x3FAE] =	sst s0  }
0x9: {  	[smem:$0x3FAF] =	sst s1  }
0xa: {  	[smem:$0x3FB0] =	sst s2  }
0xb: {  	[smem:$0x3FB1] =	sst s3  }
0xc: {  	[smem:$0x3FB2] =	sst s4  }
0xd: {  	[smem:$0x3FB3] =	sst s5  }
0xe: {  	[smem:$0x3FB4] =	sst s6  }
0xf: {  	[smem:$0x3FB5] =	sst s7  }
0x10: {  	[smem:$0x3FB6] =	sst s8  }
0x11: {  	[smem:$0x3FB7] =	sst s9;
	s0 =	simm.s32 @!p0 $0x0  }
0x12: {  	s1 =	sld [smem:$0x3F9D];
	s0 =	simm.s32 @p0 $0x1  }
0x13: {  	[smem:$0x3FB8] =	sst s0;
	s0 =	simm.s32 @!p1 $0x0  }
0x14: {  	s2 =	sld [smem:$0x3F9C];
	s0 =	simm.s32 @p1 $0x1  }
0x15: {  	[smem:$0x3FB9] =	sst s0;
	s0 =	simm.s32 @!p2 $0x0  }
0x16: {  	s3 =	sld [smem:$0x3FDB];
	s0 =	simm.s32 @p2 $0x1  }
0x17: {  	s4 =	simm.s32 $0x1BF5;
	[smem:$0x3FBB] =	sst s0  }
0x18: {  	s0 =	sld [smem:$0x3F9E];
	_ =	swait.ge [sflag:s4], $0x0  }
0x19: {  	s7 =	sld [smem:$0x3F9F]  }
0x1a: {  	s8 =	sadd.s32 $0xFFFFE003, lr  }
0x1b: {  	s9 =	sadd.s32 $0xFFFFFEF7, lr;
	s5 =	simm.s32 $0xFFFFFFFF;
	p2 =	slt.u32 s8, $0xFFFFF086  }
0x1c: {  	p1 =	slt.u32 s9, $0xF7A;
	s5 =	simm.s32 @!p2 $0x0  }
0x1d: {  	s5 =	simm.s32 @p1 $0x1;
	p0 =	seq.s32 s7, s2  }
0x1e: {  	s7 =	smul.u32 @!p0 $0xF7A, s2;
	p2 =	seq.s32 @!p0 s5, $0x0  }
0x1f: {  	s9 =	smul.u32 $0xF7A, s1;
	s8 =	simm.s32 @!p0 $0x1BF5;
	p2 =	por !p2, p0  }
0x20: {  	[sflag:s8] =	ssyncset.s32 @!p0 $0xFFFFF086;
	s6 =	sadd.s32 @!p0 s3, s7;
	s7 =	simm.s32 @!p0 $0x108  }
0x21: {  	s3 =	sadd.s32 s3, s9;
	s6 =	sadd.s32 @!p0 $0x88, s6;
	s7 =	simm.s32 @p2 $0x1082  }
0x22: {  	[simem:s7], [sflag:s8] =	dma.local @!p0 [hbm:s6], $0xF7A  }
0x23: {  	s9 =	sor.u32 $0xD0000000, s2;
	s6 =	simm.s32 $0x108;
	_ =	swait.ge @!p0 [sflag:s8], $0x0  }
0x24: {  	s3 =	sadd.s32 $0x88, s3;
	s6 =	simm.s32 @!p1 $0x1082;
	[sflag:s4] =	ssyncset.s32 $0xFFFFF086  }
0x25: {  	[simem:s6], [sflag:s4] =	dma.local [hbm:s3], $0xF7A  }
0x26: {  	[smem:$0x3F9F] =	sst s1;
	(tag) =	ssettag s2;
	_ =	strace s9  }
0x27: {  	s1 =	sld [smem:$0x3FAF]  }
0x28: {  	s2 =	sld [smem:$0x3FB0]  }
0x29: {  	s4 =	sld [smem:$0x3FB2]  }
0x2a: {  	p0 =	seq.s32 s5, $0x0;
	s5 =	sld [smem:$0x3FB3]  }
0x2b: {  	s6 =	sld [smem:$0x3FB4]  }
0x2c: {  	s7 =	sld [smem:$0x3FB5]  }
0x2d: {  	s3 =	simm.s32 $0x108;
	s8 =	sld [smem:$0x3FB6]  }
0x2e: {  	s3 =	simm.s32 @!p0 $0x1082;
	s9 =	sld [smem:$0x3FB7]  }
0x2f: {  	lr =	sadd.s32 s0, s3;
	s0 =	sld [smem:$0x3FAE]  }
0x30: {  	s3 =	sld [smem:$0x3FB1]  }
0x31: {  	[smem:$0x3FBA] =	sst s10  }
0x32: {  	s10 =	sld [smem:$0x3FB8];
	_ =	sdelay $0x3  }
0x33: {  	p0 =	seq.s32 s10, $0x1;
	s10 =	sld [smem:$0x3FBA];
	_ =	sdelay $0x3  }
0x34: {  	[smem:$0x3FBA] =	sst s10  }
0x35: {  	s10 =	sld [smem:$0x3FB9];
	_ =	sdelay $0x3  }
0x36: {  	p1 =	seq.s32 s10, $0x1;
	s10 =	sld [smem:$0x3FBA];
	_ =	sdelay $0x3  }
0x37: {  	[smem:$0x3FBA] =	sst s10  }
0x38: {  	s10 =	sld [smem:$0x3FBB]  }
0x39: {  	_ = 	snop;
	(pc) =	sbr.ind lr, $3  }
0x3a: {  	_ = 	snop  }
0x3b: {  	_ = 	snop  }
0x3c: {  	p2 =	seq.s32 s10, $0x1;
	s10 =	sld [smem:$0x3FBA]  }
0x3d: {  	_ =	shalt  }
0x3e: {  	_ =	shalt  }
0x3f: {  	_ =	shalt  }
0x40: {  	_ =	shalt  }
0x41: {  	_ =	shalt  }
0x42: {  	_ =	shalt  }
0x43: {  	_ =	shalt  }
0x44: {  	_ =	shalt  }
0x45: {  	_ =	shalt  }
0x46: {  	_ =	shalt  }
0x47: {  	_ =	shalt  }
0x48: {  	_ =	shalt  }
0x49: {  	_ =	shalt  }
0x4a: {  	_ =	shalt  }
0x4b: {  	_ =	shalt  }
0x4c: {  	_ =	shalt  }
0x4d: {  	_ =	shalt  }
0x4e: {  	_ =	shalt  }
0x4f: {  	_ =	shalt  }
0x50: {  	_ =	shalt  }
0x51: {  	_ =	shalt  }
0x52: {  	_ =	shalt  }
0x53: {  	_ =	shalt  }
0x54: {  	_ =	shalt  }
0x55: {  	_ =	shalt  }
0x56: {  	_ =	shalt  }
0x57: {  	_ =	shalt  }
0x58: {  	_ =	shalt  }
0x59: {  	_ =	shalt  }
0x5a: {  	_ =	shalt  }
0x5b: {  	_ =	shalt  }
0x5c: {  	_ =	shalt  }
0x5d: {  	_ =	shalt  }
0x5e: {  	_ =	shalt  }
0x5f: {  	_ =	shalt  }
0x60: {  	_ =	shalt  }
0x61: {  	_ =	shalt  }
0x62: {  	_ =	shalt  }
0x63: {  	_ =	shalt  }
0x64: {  	_ =	shalt  }
0x65: {  	_ =	shalt  }
0x66: {  	_ =	shalt  }
0x67: {  	_ =	shalt  }
0x68: {  	_ =	shalt  }
0x69: {  	_ =	shalt  }
0x6a: {  	_ =	shalt  }
0x6b: {  	_ =	shalt  }
0x6c: {  	_ =	shalt  }
0x6d: {  	_ =	shalt  }
0x6e: {  	_ =	shalt  }
0x6f: {  	_ =	shalt  }
0x70: {  	_ =	shalt  }
0x71: {  	_ =	shalt  }
0x72: {  	_ =	shalt  }
0x73: {  	_ =	shalt  }
0x74: {  	_ =	shalt  }
0x75: {  	_ =	shalt  }
0x76: {  	_ =	shalt  }
0x77: {  	_ =	shalt  }
0x78: {  	_ =	shalt  }
0x79: {  	_ =	shalt  }
0x7a: {  	_ =	shalt  }
0x7b: {  	_ =	shalt  }
0x7c: {  	_ =	shalt  }
0x7d: {  	_ =	shalt  }
0x7e: {  	_ =	shalt  }
0x7f: {  	_ =	shalt  }
0x80: {  	_ =	shalt  }
0x81: {  	_ =	shalt  }
0x82: {  	_ =	shalt  }
0x83: {  	_ =	shalt  }
0x84: {  	_ =	shalt  }
0x85: {  	_ =	shalt  }
0x86: {  	_ =	shalt  }
0x87: {  	_ =	shalt  }
.Lfunc_end0:
.L_simem_size_0:
called_computation_lowered:
.L_overlay_start_0:
0x88: {  	s2 =	sld [smem:$0x3FD9]  }
0x89: {  	s3 =	sld [smem:$0x3FFE];
	_ =	sdelay $0x1  }
0x8a: {  	s1 =	srdreg.scid  }
0x8b: {  	s0 =	sand.u32 $0x1, s1  }
0x8c: {  	s17 =	sshll.u32 s0, $0xA;
	s2 =	sadd.s32 s3, s2  }
0x8d: {  	s2 =	sadd.s32 s2, s17  }
0x8e: {  	[smem:$0x3FC6] =	sst s2  }
0x8f: {  	_ = 	snop  }
0x90: {  	s2 =	sld [smem:$0x3FD0];
	(tm) =	ssettm $0x1  }
0x91: {  	s18 =	sld [smem:$0x3FFB];
	_ =	sdelay $0x3  }
0x92: {  	_ =	strace s18  }
0x93: {  	s3 =	sld [smem:$0x3FFC];
	_ =	sdelay $0x3  }
0x94: {  	_ =	strace s3  }
0x95: {  	s3 =	sld [smem:$0x3FFD];
	_ =	sdelay $0x3  }
0x96: {  	_ =	strace s3  }
0x97: {  	_ =	strace $0x8FFFFFFF  }
0x98: {  	s19 =	sld [smem:$0x3FDB];
	_ =	sdelay $0x1  }
0x99: {  	s4 =	simm.s32 $_scs_section_size  }
0x9a: {  	s5 =	simm.s32 $_size__tile_overlayer_lowered;
	s6 =	simm.s32 $_tile_overlayer_lowered  }
0x9b: {  	s22 =	simm.s32 $0x1BFF;
	s21 =	sshll.u32 s6, $0x1;
	s3 =	sadd.s32 s4, s19  }
0x9c: {  	s7 =	simm.s32 $0x0;
	s20 =	sshll.u32 s5, $0x1;
	s5 =	sadd.s32 s21, s3  }
0x9d: {  	[timem:s7], [sflag:s22] =	dma.local [hbm:s5], s20  }
0x9e: {  	_ =	swait.ge [sflag:s22], s20  }
0x9f: {  	s4 =	ssub.s32 $0x0, s20;
	[sflag:s22] =	ssyncset.done $0x0  }
0xa0: {  	[sflag:s22] =	ssyncadd.s32 s4;
	_ =	sdelay $0x1  }
0xa1: {  	s23 =	simm.s32 $0x1B8B  }
0xa2: {  	_ =	swait.ge [sflag:s23], $0x1  }
0xa3: {  	[sflag:s23] =	ssyncset.done $0x0  }
0xa4: {  	s25 =	simm.s32 $0x1B8E;
	s24 =	sld [smem:$0x3FFE];
	[sflag:s23] =	ssyncadd.s32 $0xFFFFFFFF  }
0xa5: {  	s26 =	simm.s32 $execute0_lowered;
	[smem:$0x3FD2] =	sst s25  }
0xa6: {  	s5 =	sshll.u32 s26, $0x1;
	_ =	strace $0x80000046;
	[dreg:$0x1] =	wrdreg $0xFFFFFFFF  }
0xa7: {  	s28 =	simm.s32 $_size_execute0_lowered;
	s3 =	sadd.s32 s3, s5;
	[dreg:$0x0] =	wrdreg $0x0  }
0xa8: {  	s5 =	sshll.u32 s28, $0x1;
	[dreg:$0x2] =	wrdreg s3  }
0xa9: {  	[dreg:$0x3] =	wrdreg s5  }
0xaa: {  	[dreg:$0x4] =	wrdreg $0xC0  }
0xab: {  	_ =	task [dreg:s7], $0x5FFFF  }
0xac: {  	[dreg:$0x1] =	wrdreg $0xFFFFFFFF  }
0xad: {  	[dreg:$0x0] =	wrdreg $0x60  }
0xae: {  	[dreg:$0x2] =	wrdreg s24  }
0xaf: {  	[dreg:$0x3] =	wrdreg s2  }
0xb0: {  	[dreg:$0x4] =	wrdreg $0x9  }
0xb1: {  	_ =	task.clear_ibuf [dreg:s7], $0x5FFFF;
	_ =	strace $0x90000046  }
0xb2: {  	s29 =	simm.s32 $0x9;
	_ =	strace $0x80000048  }
0xb3: {  	_ =	swait.ge [sflag:s29], $0x1  }
0xb4: {  	[sflag:s29] =	ssyncadd.s32 $0xFFFFFFFF  }
0xb5: {  	_ =	strace $0x90000048  }
0xb6: {  	_ =	sfence  }
0xb7: {  	s30 =	sld [smem:$0x0];
	_ =	sdelay $0x2  }
0xb8: {  	s31 =	sshll.u32 s1, $0xD;
	s1 =	sshrl.u32 s1, $0x2  }
0xb9: {  	s3 =	sand.u32 $0x4000, s31;
	s1 =	sadd.s32 s1, s30  }
0xba: {  	s0 =	sor.u32 s3, s0;
	s1 =	sshll.u32 s1, $0x11  }
0xbb: {  	s0 =	sor.u32 s1, s0  }
0xbc: {  	s0 =	sadd.s32 $0x8F2B, s0  }
0xbd: {  	[sflag:s0] =	ssyncadd.remote.s32 $0x1  }
0xbe: {  	_ =	sfence.sel $0xFFFF  }
0xbf: {  	[dreg:$0x0] =	wrdreg $0xFFFFFFFF;
	(pc) =	sbr.abs _section_cstart, $3  }
0xc0: {  	[dreg:$0x1] =	wrdreg $0xFFFFFFFF  }
0xc1: {  	_ =	task.clear_ibuf [dreg:s7], $0x2FFFF;
	_ =	strace $0x9FFFFFFF  }
0xc2: {  	(tm) =	ssettm $0x7FFFFFFF  }
0xc3: {  	_ =	shalt  }
tec
execute0_lowered:
.L_overlay_start_1:
0x0: {  	(tag) =	ssettag $0x1  }
0x1: {  	s0 =	rddreg [dreg:$0x0]  }
0x2: {  	s2 =	rddreg [dreg:$0x1];
	s1 =	srdreg.scid  }
0x3: {  	s3 =	simm.s32 $0x0;
	s4 =	stileid.u32;
	s13 =	simm.s32 $0x1  }
0x4: {  	s14 =	simm.s32 $0x200;
	s16 =	simm.s32 $0x6000;
	[smem:$0x7FF] =	sst s3  }
0x5: {  	v0 =	vimm.f32 $2.999999930e-02;
	s28 =	simm.s32 $0xB000;
	s29 =	simm.s32 $0x4C00;
	_ =	strace $0x80000047  }
0x6: {  	s30 =	simm.s32 $0xC000;
	s31 =	simm.s32 $0x4E00;
	s11 =	simm.s32 $0x3;
	(erf) = vrcp.f32 v0  }
0x7: {  	s15 =	simm.s32 $0x0;
	s1 =	sand.u32 $0x1, s1;
	s4 =	sshll.u32 s4, $0x12  }
0x8: {  	s8 =	sadd.s32 $0x7AA00, s0;
	s5 =	sshll.u32 s1, $0x11;
	s1 =	ssub.s32 $0x2, s1  }
0x9: {  	s6 =	sor.u32 s5, s4;
	s4 =	sadd.s32 $0x7A600, s0;
	s7 =	sshrl.u32 s1, $0x1  }
0xa: {  	s5 =	sadd.s32 $0x400, s0;
	s9 =	sshrl.u32 s6, $0x1;
	s1 =	ssub.s32 s1, s7  }
0xb: {  	s7 =	sshll.u32 s6, $0x2;
	s24 =	sadd.s32 s4, s9;
	s25 =	sadd.s32 s9, s2  }
0xc: {  	s9 =	sadd.s32 $0x3FFFF800, s6;
	s10 =	sor.u32 $0x4000, s7;
	s26 =	smax.u32 s1, $0x1  }
0xd: {  	s1 =	simm.s32 $0x2;
	s6 =	simm.s32 $0xE000;
	[dreg:$0x3] =	wrdreg s24  }
0xe: {  	v1 =	vlaneseq.u32;
	s0 =	sadd.s32 $0xFC00, s25;
	[dreg:$0x5] =	wrdreg s26;
	s25 =	simm.s32 $0xA000  }
0xf: {  	v1 =	vmul.u32 $0x8, v1;
	s26 =	simm.s32 $0x4A00;
	[dreg:$0x4] =	wrdreg s0;
	s0 =	simm.s32 $0xD000;
	v0 =	vpop (erf)  }
.LBB2_1:
0x10: {  	s12 =	rddreg [dreg:$0x3]  }
0x11: {  	[tilespmem:s3], [sflag:$0x1] =	stream.linear.gather [hbm4b:s12+s3], $0x2000, $0x38;
	[tilespmem:$0x12000] =	vst v63  }
0x12: {  	[dreg:$0x6] =	wrdreg s15;
	s12 =	simm.s32 $0x0  }
.LBB2_2:
0x13: {  	_ =	swait.ge [sflag:s13], $0x2000;
	s15 =	simm.s32 $0x0  }
0x14: {  	[sflag:s13] =	ssyncset.done $0x0;
	s17 =	sand.u32 $0x70, s15;
	s15 =	sand.u32 $0x1E00, s15  }
0x15: {  	[sflag:s13] =	ssyncadd.s32 $0xFFFFE000;
	s15 =	sor.u32 s17, s15  }
0x16: {  	v2 =	vld [tilespmem:s15+$0x0];
	_ =	sdelay $0x1  }
0x17: {  	v3 =	vld [tilespmem:s15+$0x80];
	_ =	sdelay $0x2  }
0x18: {  	v4 =	vld [tilespmem:s15+$0x100];
	v5 =	vmul.f32 v2, v0;
	_ =	sdelay $0x1  }
0x19: {  	v6 =	vmul.f32 v3, v0;
	v5 =	vadd.f32 $5.000000000e+01, v5;
	_ =	sdelay $0x1  }
0x1a: {  	v6 =	vadd.f32 $5.000000000e+01, v6;
	v5 =	vtrunc.f32 v5  }
0x1b: {  	v7 =	vmul.f32 v4, v0;
	v5 =	vcvt.f32.s32 v5  }
0x1c: {  	v6 =	vtrunc.f32 v6  }
0x1d: {  	v7 =	vadd.f32 $5.000000000e+01, v7;
	v6 =	vcvt.f32.s32 v6;
	vm0 =	vgt.s32 v5, $0x0  }
0x1e: {  	v4 =	vand.u32 $0x7FFFFFFF, v4;
	v5 =	vnsel vm0, $0x0, v5  }
0x1f: {  	v7 =	vtrunc.f32 v7;
	vm12 =	vgt.s32 v6, $0x0;
	v5 =	vmin.u32 v5, $0x63  }
0x20: {  	v7 =	vcvt.f32.s32 v7;
	v6 =	vnsel vm12, $0x0, v6;
	v5 =	vmul.u32 $0x64, v5  }
0x21: {  	v2 =	vand.u32 $0x7FFFFFFF, v2;
	v3 =	vand.u32 $0x7FFFFFFF, v3;
	v6 =	vmin.u32 v6, $0x63  }
0x22: {  	vm14 =	vlt.f32 v2, $1.500000000e+00;
	vm13 =	vgt.s32 v7, $0x0;
	v5 =	vadd.s32 v6, v5  }
0x23: {  	vm1 =	vlt.f32 v3, $1.500000000e+00;
	v7 =	vnsel vm13, $0x0, v7;
	v2 =	vmul.u32 $0x64, v5  }
0x24: {  	vm15 =	vlt.f32 v4, $1.500000000e+00;
	vm0 =	vmand vm14, vm1;
	v3 =	vmin.u32 v7, $0x63  }
0x25: {  	vm0 =	vmand vm0, vm15;
	v2 =	vadd.s32 v3, v2  }
0x26: {  	v2 =	vnsel vm0, $0xF4240, v2  }
0x27: {  	s24 =	simm.s32 $0x10;
	s18 =	simm.s32 $0x0;
	s15 =	simm.s32 $0x40;
	v3 =	vshrl.u32 v2, $0x1;
	v2 =	vshll.u32 v2, $0x2  }
0x28: {  	s19 =	sand.u32 $0x70, s24;
	s17 =	simm.s32 $0x20;
	s20 =	sand.u32 $0x1E00, s15;
	[tilespmem:s18+$0x4000] =	vst v3;
	v2 =	vand.u32 $0x4, v2  }
.LBB2_3:
0x29: {  	p0 =	sne.s32 s17, $0x7F0;
	s19 =	sor.u32 s19, s20;
	[tilespmem:s18+$0x5000] =	vst v2  }
0x2a: {  	v2 =	vld [tilespmem:s19+$0x0]  }
0x2b: {  	v3 =	vld [tilespmem:s19+$0x100]  }
0x2c: {  	v4 =	vld [tilespmem:s19+$0x80];
	_ =	sdelay $0x2  }
0x2d: {  	v5 =	vmul.f32 v2, v0;
	_ =	sdelay $0x1  }
0x2e: {  	v5 =	vadd.f32 $5.000000000e+01, v5;
	v6 =	vmul.f32 v4, v0  }
0x2f: {  	v7 =	vmul.f32 v3, v0  }
0x30: {  	v5 =	vtrunc.f32 v5;
	v6 =	vadd.f32 $5.000000000e+01, v6  }
0x31: {  	v7 =	vadd.f32 $5.000000000e+01, v7;
	v5 =	vcvt.f32.s32 v5  }
0x32: {  	v6 =	vtrunc.f32 v6  }
0x33: {  	v7 =	vtrunc.f32 v7;
	vm0 =	vgt.s32 v5, $0x0;
	v6 =	vcvt.f32.s32 v6  }
0x34: {  	v7 =	vcvt.f32.s32 v7;
	v5 =	vnsel vm0, $0x0, v5  }
0x35: {  	v5 =	vmin.u32 v5, $0x63;
	vm0 =	vgt.s32 v6, $0x0  }
0x36: {  	v6 =	vnsel vm0, $0x0, v6;
	vm0 =	vgt.s32 v7, $0x0;
	v5 =	vmul.u32 $0x64, v5  }
0x37: {  	v3 =	vand.u32 $0x7FFFFFFF, v3;
	v6 =	vmin.u32 v6, $0x63;
	v7 =	vnsel vm0, $0x0, v7  }
0x38: {  	v2 =	vand.u32 $0x7FFFFFFF, v2;
	v4 =	vand.u32 $0x7FFFFFFF, v4;
	v5 =	vadd.s32 v6, v5  }
0x39: {  	vm1 =	vlt.f32 v4, $1.500000000e+00;
	vm0 =	vlt.f32 v2, $1.500000000e+00;
	v2 =	vmul.u32 $0x64, v5  }
.Ltmp0:
0x3a: {  	vm0 =	vmand vm0, vm1;
	vm1 =	vlt.f32 v3, $1.500000000e+00;
	v3 =	vmin.u32 v7, $0x63;
	(pc) =	sbr.rel @p0 .LBB2_3-.Ltmp0, $4  }
0x3b: {  	vm0 =	vmand vm0, vm1;
	v2 =	vadd.s32 v3, v2  }
0x3c: {  	v2 =	vnsel vm0, $0xF4240, v2  }
0x3d: {  	s18 =	sshra.s32 s15, $0x2;
	s15 =	sadd.s32 $0x40, s15;
	v3 =	vshrl.u32 v2, $0x1;
	v2 =	vshll.u32 v2, $0x2  }
0x3e: {  	s20 =	sand.u32 $0x1E00, s15;
	s19 =	sand.u32 $0x70, s17;
	s17 =	sadd.s32 $0x10, s17;
	[tilespmem:s18+$0x4000] =	vst v3;
	v2 =	vand.u32 $0x4, v2  }
0x3f: {  	s17 =	sor.u32 s19, s20;
	[tilespmem:s18+$0x5000] =	vst v2  }
0x40: {  	v2 =	vld [tilespmem:s17+$0x0];
	_ =	sdelay $0x1  }
0x41: {  	v3 =	vld [tilespmem:s17+$0x80];
	_ =	sdelay $0x2  }
0x42: {  	v4 =	vld [tilespmem:s17+$0x100];
	v5 =	vmul.f32 v2, v0;
	_ =	sdelay $0x1  }
0x43: {  	v6 =	vmul.f32 v3, v0;
	v5 =	vadd.f32 $5.000000000e+01, v5;
	_ =	sdelay $0x1  }
0x44: {  	v6 =	vadd.f32 $5.000000000e+01, v6;
	v5 =	vtrunc.f32 v5  }
0x45: {  	v7 =	vmul.f32 v4, v0;
	v5 =	vcvt.f32.s32 v5  }
0x46: {  	v6 =	vtrunc.f32 v6  }
0x47: {  	v7 =	vadd.f32 $5.000000000e+01, v7;
	v6 =	vcvt.f32.s32 v6;
	vm0 =	vgt.s32 v5, $0x0  }
0x48: {  	v4 =	vand.u32 $0x7FFFFFFF, v4;
	v5 =	vnsel vm0, $0x0, v5  }
0x49: {  	v7 =	vtrunc.f32 v7;
	vm12 =	vgt.s32 v6, $0x0;
	v5 =	vmin.u32 v5, $0x63  }
0x4a: {  	v7 =	vcvt.f32.s32 v7;
	v6 =	vnsel vm12, $0x0, v6;
	v5 =	vmul.u32 $0x64, v5  }
0x4b: {  	v2 =	vand.u32 $0x7FFFFFFF, v2;
	v3 =	vand.u32 $0x7FFFFFFF, v3;
	v6 =	vmin.u32 v6, $0x63  }
0x4c: {  	vm14 =	vlt.f32 v2, $1.500000000e+00;
	vm13 =	vgt.s32 v7, $0x0;
	v5 =	vadd.s32 v6, v5  }
0x4d: {  	vm1 =	vlt.f32 v3, $1.500000000e+00;
	v7 =	vnsel vm13, $0x0, v7;
	v2 =	vmul.u32 $0x64, v5  }
0x4e: {  	vm15 =	vlt.f32 v4, $1.500000000e+00;
	vm0 =	vmand vm14, vm1;
	v3 =	vmin.u32 v7, $0x63  }
0x4f: {  	vm0 =	vmand vm0, vm15;
	v2 =	vadd.s32 v3, v2  }
0x50: {  	v2 =	vnsel vm0, $0xF4240, v2  }
0x51: {  	s15 =	sshra.s32 s15, $0x2;
	v3 =	vshrl.u32 v2, $0x1;
	v2 =	vshll.u32 v2, $0x2  }
0x52: {  	[tilespmem:s15+$0x4000] =	vst v3;
	v2 =	vand.u32 $0x4, v2  }
0x53: {  	s22 =	simm.s32 $0x4000;
	[tilespmem:s15+$0x5000] =	vst v2  }
0x54: {  	[tilespmem:s16], [sflag:$0x2] =	stream.indirect.gather [hbm4b:s5+s14], $0x8, s22, s14, $0xb8;
	[tilespmem:$0x12000] =	vst v63  }
0x55: {  	s23 =	simm.s32 $0x4200;
	s24 =	simm.s32 $0x7000;
	s18 =	simm.s32 $0x4400  }
0x56: {  	[tilespmem:s24], [sflag:$0x2] =	stream.indirect.gather [hbm4b:s5+s14], $0x8, s23, s14, $0xb8;
	[tilespmem:$0x12000] =	vst v63  }
0x57: {  	s19 =	simm.s32 $0x8000;
	p0 =	seq.s32 s12, $0x0;
	s17 =	sshll.u32 s12, $0xE  }
0x58: {  	[tilespmem:s19], [sflag:$0x2] =	stream.indirect.gather [hbm4b:s5+s14], $0x8, s18, s14, $0xb8;
	[tilespmem:$0x12000] =	vst v63  }
.Ltmp1:
0x59: {  	s22 =	sor.u32 s7, s17;
	(pc) =	sbr.rel @p0 .LBB2_8-.Ltmp1, $4  }
0x5a: {  	s20 =	simm.s32 $0x4600;
	s21 =	simm.s32 $0x9000;
	s15 =	sshrl.u32 s22, $0x3  }
0x5b: {  	[tilespmem:s21], [sflag:$0x2] =	stream.indirect.gather [hbm4b:s5+s14], $0x8, s20, s14, $0xb8;
	[tilespmem:$0x12000] =	vst v63  }
0x5c: {  	s23 =	sadd.s32 s15, s8;
	s24 =	simm.s32 $0x2000  }
0x5d: {  	[tilespmem:s24], [sflag:$0x1] =	stream.linear.gather [hbm4b:s23+s3], $0x2000, $0x38;
	[tilespmem:$0x12000] =	vst v63  }
0x5e: {  	_ =	swait.ge [sflag:s11], $0x1000  }
0x5f: {  	[sflag:s11] =	ssyncset.done $0x0  }
0x60: {  	[sflag:s11] =	ssyncadd.s32 $0xFFFFF000  }
0x61: {  	_ =	swait.ge [sflag:s11], $0x1000  }
0x62: {  	[sflag:s11] =	ssyncset.done $0x0  }
0x63: {  	[sflag:s11] =	ssyncadd.s32 $0xFFFFF000  }
0x64: {  	_ =	swait.ge [sflag:s11], $0x1000  }
0x65: {  	[sflag:s11] =	ssyncset.done $0x0  }
0x66: {  	[sflag:s11] =	ssyncadd.s32 $0xFFFFF000  }
0x67: {  	_ =	swait.ge [sflag:s11], $0x1000  }
0x68: {  	p1 =	seq.s32 s12, $0x1;
	[sflag:s11] =	ssyncset.done $0x0  }
0x69: {  	s18 =	simm.s32 @!p1 $0x5;
	[sflag:s11] =	ssyncadd.s32 $0xFFFFF000  }
0x6a: {  	_ =	swait.ge @!p1 [sflag:s18], $0x2000  }
0x6b: {  	[sflag:s18] =	ssyncset.done @!p1 $0x0  }
0x6c: {  	s24 =	simm.s32 $0x0;
	[sflag:s18] =	ssyncadd.s32 @!p1 $0xFFFFE000  }
0x6d: {  	v2 =	vld [tilespmem:s24+$0x5800];
	_ =	sdelay $0x1  }
0x6e: {  	s18 =	simm.s32 $0x0  }
0x6f: {  	v3 =	vmov s18  }
0x70: {  	v3 =	vshll.u32 v3, $0x3  }
0x71: {  	v3 =	vor.u32 v1, v3;
	v4 =	vand.u32 $0xFFFFFFF8, v2  }
0x72: {  	v5 =	vand.u32 $0x7, v2;
	v4 =	vadd.s32 v3, v4  }
0x73: {  	v4 =	vor.u32 v5, v4;
	_ =	sdelay $0x4  }
0x74: {  	v4 =	vld.idx.msk [tilespmem:v4+s25+$0x0], $0xffff;
	_ =	sdelay $0x4  }
0x75: {  	v4 =	vsub.f32 $0.0e+00, v4;
	_ =	sdelay $0x1  }
0x76: {  	v4 =	vmul.f32 $1.442695020e+00, v4;
	_ =	sdelay $0x1  }
0x77: {  	(erf) = vpow2.f32 v4;
	_ =	sdelay $0x8  }
0x78: {  	v4 =	vpop (erf)  }
0x79: {  	v4 =	vadd.f32 $1.000000000e+00, v4;
	_ =	sdelay $0x1  }
0x7a: {  	(erf) = vrcp.f32 v4;
	_ =	sdelay $0x2  }
0x7b: {  	v57 =	vadd.s32 $0x1, v2  }
0x7c: {  	v58 =	vand.u32 $0xFFFFFFF8, v57  }
0x7d: {  	v5 =	vadd.s32 v3, v58;
	v4 =	vand.u32 $0x7, v57  }
0x7e: {  	v4 =	vor.u32 v4, v5;
	_ =	sdelay $0x1  }
0x7f: {  	s19 =	sand.u32 $0x70, s18;
	s20 =	sand.u32 $0x1E00, s18  }
0x80: {  	s21 =	sor.u32 s19, s20;
	v59 =	vpop (erf)  }
0x81: {  	[tilespmem:s21+$0x10000] =	vst v59  }
0x82: {  	v4 =	vld.idx.msk [tilespmem:v4+s25+$0x0], $0xffff;
	_ =	sdelay $0x4  }
0x83: {  	v4 =	vsub.f32 $0.0e+00, v4;
	_ =	sdelay $0x1  }
0x84: {  	v4 =	vmul.f32 $1.442695020e+00, v4;
	_ =	sdelay $0x1  }
0x85: {  	(erf) = vpow2.f32 v4;
	_ =	sdelay $0x8  }
0x86: {  	v4 =	vpop (erf)  }
0x87: {  	v4 =	vadd.f32 $1.000000000e+00, v4;
	_ =	sdelay $0x1  }
0x88: {  	(erf) = vrcp.f32 v4;
	_ =	sdelay $0x2  }
0x89: {  	v60 =	vadd.s32 $0x2, v2  }
0x8a: {  	v61 =	vand.u32 $0xFFFFFFF8, v60  }
0x8b: {  	v5 =	vadd.s32 v3, v61;
	v4 =	vand.u32 $0x7, v60  }
0x8c: {  	v4 =	vor.u32 v4, v5;
	_ =	sdelay $0x2  }
0x8d: {  	v62 =	vpop (erf)  }
0x8e: {  	[tilespmem:s21+$0x10080] =	vst v62  }
0x8f: {  	v4 =	vld.idx.msk [tilespmem:v4+s25+$0x0], $0xffff;
	_ =	sdelay $0x4  }
0x90: {  	v4 =	vsub.f32 $0.0e+00, v4;
	_ =	sdelay $0x1  }
0x91: {  	v4 =	vmul.f32 $1.442695020e+00, v4;
	_ =	sdelay $0x1  }
0x92: {  	(erf) = vpow2.f32 v4;
	_ =	sdelay $0x8  }
0x93: {  	v4 =	vpop (erf)  }
0x94: {  	v4 =	vadd.f32 $1.000000000e+00, v4;
	_ =	sdelay $0x1  }
0x95: {  	(erf) = vrcp.f32 v4;
	_ =	sdelay $0x2  }
0x96: {  	v2 =	vadd.s32 $0x3, v2  }
0x97: {  	v63 =	vand.u32 $0xFFFFFFF8, v2  }
0x98: {  	v2 =	vand.u32 $0x7, v2;
	v3 =	vadd.s32 v3, v63  }
0x99: {  	v2 =	vor.u32 v2, v3;
	_ =	sdelay $0x2  }
0x9a: {  	v3 =	vpop (erf)  }
0x9b: {  	[tilespmem:s21+$0x10100] =	vst v3  }
0x9c: {  	s19 =	simm.s32 $0x40;
	s20 =	simm.s32 $0x80;
	v2 =	vld.idx.msk [tilespmem:v2+s25+$0x0], $0xffff  }
.LBB2_6:
0x9d: {  	_ =	sdelay $0x2  }
0x9e: {  	s24 =	sshra.s32 s19, $0x2  }
0x9f: {  	s18 =	sadd.s32 $0x10, s18;
	s22 =	smov.u32 s20;
	s23 =	sadd.s32 $0x40, s20;
	v2 =	vmax.f32 v2, $0.0e+00  }
0xa0: {  	p1 =	sne.s32 s20, $0x1FC0;
	[tilespmem:s21+$0x10180] =	vst v2  }
0xa1: {  	v2 =	vld [tilespmem:s24+$0x5800];
	_ =	sdelay $0x1  }
0xa2: {  	v3 =	vmov s18  }
0xa3: {  	v3 =	vshll.u32 v3, $0x3;
	_ =	sdelay $0x1  }
0xa4: {  	v3 =	vor.u32 v1, v3;
	v4 =	vand.u32 $0xFFFFFFF8, v2;
	v5 =	vand.u32 $0x7, v2  }
0xa5: {  	v6 =	vadd.s32 $0x1, v2;
	v7 =	vadd.s32 $0x2, v2;
	v4 =	vadd.s32 v3, v4  }
0xa6: {  	v8 =	vand.u32 $0xFFFFFFF8, v7;
	v4 =	vor.u32 v5, v4;
	v5 =	vand.u32 $0xFFFFFFF8, v6  }
0xa7: {  	v2 =	vadd.s32 $0x3, v2;
	v8 =	vadd.s32 v3, v8;
	v5 =	vadd.s32 v3, v5  }
0xa8: {  	v9 =	vand.u32 $0xFFFFFFF8, v2  }
0xa9: {  	v3 =	vadd.s32 v3, v9;
	_ =	sdelay $0x1  }
0xaa: {  	v4 =	vld.idx.msk [tilespmem:v4+s25+$0x0], $0xffff;
	_ =	sdelay $0x5  }
0xab: {  	v4 =	vsub.f32 $0.0e+00, v4;
	_ =	sdelay $0x1  }
0xac: {  	v4 =	vmul.f32 $1.442695020e+00, v4;
	_ =	sdelay $0x1  }
0xad: {  	(erf) = vpow2.f32 v4;
	_ =	sdelay $0x8  }
0xae: {  	v4 =	vpop (erf)  }
0xaf: {  	v4 =	vadd.f32 $1.000000000e+00, v4;
	_ =	sdelay $0x1  }
0xb0: {  	(erf) = vrcp.f32 v4;
	_ =	sdelay $0x3  }
0xb1: {  	v4 =	vand.u32 $0x7, v6  }
0xb2: {  	v4 =	vor.u32 v4, v5;
	_ =	sdelay $0x1  }
0xb3: {  	s20 =	sand.u32 $0x70, s18;
	s21 =	sand.u32 $0x1E00, s19;
	s19 =	smov.u32 s22  }
0xb4: {  	s21 =	sor.u32 s20, s21  }
0xb5: {  	v5 =	vpop (erf)  }
0xb6: {  	[tilespmem:s21+$0x10000] =	vst v5  }
0xb7: {  	v4 =	vld.idx.msk [tilespmem:v4+s25+$0x0], $0xffff;
	_ =	sdelay $0x5  }
0xb8: {  	v4 =	vsub.f32 $0.0e+00, v4;
	_ =	sdelay $0x1  }
0xb9: {  	v4 =	vmul.f32 $1.442695020e+00, v4;
	_ =	sdelay $0x1  }
0xba: {  	(erf) = vpow2.f32 v4;
	_ =	sdelay $0x8  }
0xbb: {  	v4 =	vpop (erf)  }
0xbc: {  	v4 =	vadd.f32 $1.000000000e+00, v4;
	_ =	sdelay $0x1  }
0xbd: {  	(erf) = vrcp.f32 v4;
	_ =	sdelay $0x3  }
0xbe: {  	v4 =	vand.u32 $0x7, v7  }
0xbf: {  	v4 =	vor.u32 v4, v8;
	_ =	sdelay $0x3  }
0xc0: {  	v5 =	vpop (erf)  }
0xc1: {  	[tilespmem:s21+$0x10080] =	vst v5  }
0xc2: {  	v4 =	vld.idx.msk [tilespmem:v4+s25+$0x0], $0xffff;
	_ =	sdelay $0x5  }
0xc3: {  	v4 =	vsub.f32 $0.0e+00, v4;
	_ =	sdelay $0x1  }
0xc4: {  	v4 =	vmul.f32 $1.442695020e+00, v4;
	_ =	sdelay $0x1  }
0xc5: {  	(erf) = vpow2.f32 v4;
	_ =	sdelay $0x8  }
0xc6: {  	v4 =	vpop (erf)  }
0xc7: {  	v4 =	vadd.f32 $1.000000000e+00, v4;
	_ =	sdelay $0x1  }
0xc8: {  	(erf) = vrcp.f32 v4;
	_ =	sdelay $0x3  }
0xc9: {  	v2 =	vand.u32 $0x7, v2  }
0xca: {  	v2 =	vor.u32 v2, v3;
	_ =	sdelay $0x1  }
.Ltmp2:
0xcb: {  	(pc) =	sbr.rel @p1 .LBB2_6-.Ltmp2, $4  }
0xcc: {  	_ = 	snop  }
0xcd: {  	v3 =	vpop (erf)  }
0xce: {  	[tilespmem:s21+$0x10100] =	vst v3  }
0xcf: {  	s20 =	smov.u32 s23;
	v2 =	vld.idx.msk [tilespmem:v2+s25+$0x0], $0xffff  }
0xd0: {  	_ =	sdelay $0x3  }
0xd1: {  	v2 =	vmax.f32 v2, $0.0e+00  }
0xd2: {  	s20 =	sshra.s32 s19, $0x2;
	[tilespmem:s21+$0x10180] =	vst v2  }
0xd3: {  	v2 =	vld [tilespmem:s20+$0x5800];
	_ =	sdelay $0x1  }
0xd4: {  	s18 =	sadd.s32 $0x10, s18  }
0xd5: {  	v3 =	vmov s18  }
0xd6: {  	v3 =	vshll.u32 v3, $0x3  }
0xd7: {  	v3 =	vor.u32 v1, v3;
	v4 =	vand.u32 $0xFFFFFFF8, v2  }
0xd8: {  	v5 =	vand.u32 $0x7, v2;
	v4 =	vadd.s32 v3, v4  }
0xd9: {  	v4 =	vor.u32 v5, v4;
	_ =	sdelay $0x4  }
0xda: {  	v4 =	vld.idx.msk [tilespmem:v4+s25+$0x0], $0xffff;
	_ =	sdelay $0x4  }
0xdb: {  	v4 =	vsub.f32 $0.0e+00, v4;
	_ =	sdelay $0x1  }
0xdc: {  	v4 =	vmul.f32 $1.442695020e+00, v4;
	_ =	sdelay $0x1  }
0xdd: {  	(erf) = vpow2.f32 v4;
	_ =	sdelay $0x8  }
0xde: {  	v4 =	vpop (erf)  }
0xdf: {  	v4 =	vadd.f32 $1.000000000e+00, v4;
	_ =	sdelay $0x1  }
0xe0: {  	(erf) = vrcp.f32 v4;
	_ =	sdelay $0x2  }
0xe1: {  	v57 =	vadd.s32 $0x1, v2  }
0xe2: {  	v58 =	vand.u32 $0xFFFFFFF8, v57  }
0xe3: {  	v5 =	vadd.s32 v3, v58;
	v4 =	vand.u32 $0x7, v57  }
0xe4: {  	v4 =	vor.u32 v4, v5;
	_ =	sdelay $0x1  }
0xe5: {  	s18 =	sand.u32 $0x70, s18;
	s21 =	sand.u32 $0x1E00, s19  }
0xe6: {  	s18 =	sor.u32 s18, s21;
	v59 =	vpop (erf)  }
0xe7: {  	[tilespmem:s18+$0x10000] =	vst v59  }
0xe8: {  	v4 =	vld.idx.msk [tilespmem:v4+s25+$0x0], $0xffff;
	_ =	sdelay $0x4  }
0xe9: {  	v4 =	vsub.f32 $0.0e+00, v4;
	_ =	sdelay $0x1  }
0xea: {  	v4 =	vmul.f32 $1.442695020e+00, v4;
	_ =	sdelay $0x1  }
0xeb: {  	(erf) = vpow2.f32 v4;
	_ =	sdelay $0x8  }
0xec: {  	v4 =	vpop (erf)  }
0xed: {  	v4 =	vadd.f32 $1.000000000e+00, v4;
	_ =	sdelay $0x1  }
0xee: {  	(erf) = vrcp.f32 v4;
	_ =	sdelay $0x2  }
0xef: {  	v60 =	vadd.s32 $0x2, v2  }
0xf0: {  	v61 =	vand.u32 $0xFFFFFFF8, v60  }
0xf1: {  	v5 =	vadd.s32 v3, v61;
	v4 =	vand.u32 $0x7, v60  }
0xf2: {  	v4 =	vor.u32 v4, v5;
	_ =	sdelay $0x2  }
0xf3: {  	v62 =	vpop (erf)  }
0xf4: {  	[tilespmem:s18+$0x10080] =	vst v62  }
0xf5: {  	v4 =	vld.idx.msk [tilespmem:v4+s25+$0x0], $0xffff;
	_ =	sdelay $0x4  }
0xf6: {  	v4 =	vsub.f32 $0.0e+00, v4;
	_ =	sdelay $0x1  }
0xf7: {  	v4 =	vmul.f32 $1.442695020e+00, v4;
	_ =	sdelay $0x1  }
0xf8: {  	(erf) = vpow2.f32 v4;
	_ =	sdelay $0x8  }
0xf9: {  	v4 =	vpop (erf)  }
0xfa: {  	v4 =	vadd.f32 $1.000000000e+00, v4;
	_ =	sdelay $0x1  }
0xfb: {  	(erf) = vrcp.f32 v4;
	_ =	sdelay $0x2  }
0xfc: {  	v2 =	vadd.s32 $0x3, v2  }
0xfd: {  	v63 =	vand.u32 $0xFFFFFFF8, v2  }
0xfe: {  	v2 =	vand.u32 $0x7, v2;
	v3 =	vadd.s32 v3, v63  }
0xff: {  	v2 =	vor.u32 v2, v3;
	_ =	sdelay $0x2  }
0x100: {  	v3 =	vpop (erf)  }
0x101: {  	[tilespmem:s18+$0x10100] =	vst v3  }
0x102: {  	v2 =	vld.idx.msk [tilespmem:v2+s25+$0x0], $0xffff;
	_ =	sdelay $0x1  }
0x103: {  	s22 =	sshll.u32 s12, $0xC  }
0x104: {  	s19 =	sadd.s32 s22, s9  }
0x105: {  	s19 =	sshrl.u32 s19, $0x1  }
0x106: {  	s19 =	sand.u32 $0x1FFFFC00, s19;
	v2 =	vmax.f32 v2, $0.0e+00  }
0x107: {  	s24 =	simm.s32 $0x10000;
	s23 =	sadd.s32 s2, s19;
	[tilespmem:s18+$0x10180] =	vst v2  }
0x108: {  	[hbm4b:s23+s3] =	stream.linear.scatter [tilespmem:s24], [sflag:$0x5], $0x2000, $0x38;
	[tilespmem:$0x12000] =	vst v63  }
.LBB2_8:
0x109: {  	_ =	swait.ge [sflag:s13], $0x2000;
	s18 =	simm.s32 $0x0  }
0x10a: {  	[sflag:s13] =	ssyncset.done $0x0;
	s19 =	sand.u32 $0x70, s18;
	s18 =	sand.u32 $0x1E00, s18  }
0x10b: {  	[sflag:s13] =	ssyncadd.s32 $0xFFFFE000;
	s18 =	sor.u32 s19, s18  }
0x10c: {  	v2 =	vld [tilespmem:s18+$0x2000];
	_ =	sdelay $0x1  }
0x10d: {  	v3 =	vld [tilespmem:s18+$0x2080];
	_ =	sdelay $0x2  }
0x10e: {  	v4 =	vld [tilespmem:s18+$0x2100];
	v5 =	vmul.f32 v2, v0;
	_ =	sdelay $0x1  }
0x10f: {  	v6 =	vmul.f32 v3, v0;
	v5 =	vadd.f32 $5.000000000e+01, v5;
	_ =	sdelay $0x1  }
0x110: {  	v6 =	vadd.f32 $5.000000000e+01, v6;
	v5 =	vtrunc.f32 v5  }
0x111: {  	v7 =	vmul.f32 v4, v0;
	v5 =	vcvt.f32.s32 v5  }
0x112: {  	v6 =	vtrunc.f32 v6  }
0x113: {  	v7 =	vadd.f32 $5.000000000e+01, v7;
	v6 =	vcvt.f32.s32 v6;
	vm0 =	vgt.s32 v5, $0x0  }
0x114: {  	v4 =	vand.u32 $0x7FFFFFFF, v4;
	v5 =	vnsel vm0, $0x0, v5  }
0x115: {  	v7 =	vtrunc.f32 v7;
	vm12 =	vgt.s32 v6, $0x0;
	v5 =	vmin.u32 v5, $0x63  }
0x116: {  	v7 =	vcvt.f32.s32 v7;
	v6 =	vnsel vm12, $0x0, v6;
	v5 =	vmul.u32 $0x64, v5  }
0x117: {  	v2 =	vand.u32 $0x7FFFFFFF, v2;
	v3 =	vand.u32 $0x7FFFFFFF, v3;
	v6 =	vmin.u32 v6, $0x63  }
0x118: {  	vm14 =	vlt.f32 v2, $1.500000000e+00;
	vm13 =	vgt.s32 v7, $0x0;
	v5 =	vadd.s32 v6, v5  }
0x119: {  	vm1 =	vlt.f32 v3, $1.500000000e+00;
	v7 =	vnsel vm13, $0x0, v7;
	v2 =	vmul.u32 $0x64, v5  }
0x11a: {  	vm15 =	vlt.f32 v4, $1.500000000e+00;
	vm0 =	vmand vm14, vm1;
	v3 =	vmin.u32 v7, $0x63  }
0x11b: {  	vm0 =	vmand vm0, vm15;
	v2 =	vadd.s32 v3, v2  }
0x11c: {  	v2 =	vnsel vm0, $0xF4240, v2  }
0x11d: {  	s24 =	simm.s32 $0x10;
	s20 =	simm.s32 $0x0;
	s18 =	simm.s32 $0x40;
	v3 =	vshrl.u32 v2, $0x1;
	v2 =	vshll.u32 v2, $0x2  }
0x11e: {  	s21 =	sand.u32 $0x70, s24;
	s19 =	simm.s32 $0x20;
	s22 =	sand.u32 $0x1E00, s18;
	[tilespmem:s20+$0x4800] =	vst v3;
	v2 =	vand.u32 $0x4, v2  }
.LBB2_9:
0x11f: {  	p1 =	sne.s32 s19, $0x7F0;
	s21 =	sor.u32 s21, s22;
	[tilespmem:s20+$0x5800] =	vst v2  }
0x120: {  	v2 =	vld [tilespmem:s21+$0x2000]  }
0x121: {  	v3 =	vld [tilespmem:s21+$0x2100]  }
0x122: {  	v4 =	vld [tilespmem:s21+$0x2080];
	_ =	sdelay $0x2  }
0x123: {  	v5 =	vmul.f32 v2, v0;
	_ =	sdelay $0x1  }
0x124: {  	v5 =	vadd.f32 $5.000000000e+01, v5;
	v6 =	vmul.f32 v4, v0  }
0x125: {  	v7 =	vmul.f32 v3, v0  }
0x126: {  	v5 =	vtrunc.f32 v5;
	v6 =	vadd.f32 $5.000000000e+01, v6  }
0x127: {  	v7 =	vadd.f32 $5.000000000e+01, v7;
	v5 =	vcvt.f32.s32 v5  }
0x128: {  	v6 =	vtrunc.f32 v6  }
0x129: {  	v7 =	vtrunc.f32 v7;
	vm0 =	vgt.s32 v5, $0x0;
	v6 =	vcvt.f32.s32 v6  }
0x12a: {  	v7 =	vcvt.f32.s32 v7;
	v5 =	vnsel vm0, $0x0, v5  }
0x12b: {  	v5 =	vmin.u32 v5, $0x63;
	vm0 =	vgt.s32 v6, $0x0  }
0x12c: {  	v6 =	vnsel vm0, $0x0, v6;
	vm0 =	vgt.s32 v7, $0x0;
	v5 =	vmul.u32 $0x64, v5  }
0x12d: {  	v3 =	vand.u32 $0x7FFFFFFF, v3;
	v6 =	vmin.u32 v6, $0x63;
	v7 =	vnsel vm0, $0x0, v7  }
0x12e: {  	v2 =	vand.u32 $0x7FFFFFFF, v2;
	v4 =	vand.u32 $0x7FFFFFFF, v4;
	v5 =	vadd.s32 v6, v5  }
0x12f: {  	vm1 =	vlt.f32 v4, $1.500000000e+00;
	vm0 =	vlt.f32 v2, $1.500000000e+00;
	v2 =	vmul.u32 $0x64, v5  }
.Ltmp3:
0x130: {  	vm0 =	vmand vm0, vm1;
	vm1 =	vlt.f32 v3, $1.500000000e+00;
	v3 =	vmin.u32 v7, $0x63;
	(pc) =	sbr.rel @p1 .LBB2_9-.Ltmp3, $4  }
0x131: {  	vm0 =	vmand vm0, vm1;
	v2 =	vadd.s32 v3, v2  }
0x132: {  	v2 =	vnsel vm0, $0xF4240, v2  }
0x133: {  	s20 =	sshra.s32 s18, $0x2;
	s18 =	sadd.s32 $0x40, s18;
	v3 =	vshrl.u32 v2, $0x1;
	v2 =	vshll.u32 v2, $0x2  }
0x134: {  	s22 =	sand.u32 $0x1E00, s18;
	s21 =	sand.u32 $0x70, s19;
	s19 =	sadd.s32 $0x10, s19;
	[tilespmem:s20+$0x4800] =	vst v3;
	v2 =	vand.u32 $0x4, v2  }
0x135: {  	s19 =	sor.u32 s21, s22;
	[tilespmem:s20+$0x5800] =	vst v2  }
0x136: {  	v2 =	vld [tilespmem:s19+$0x2000];
	_ =	sdelay $0x1  }
0x137: {  	v3 =	vld [tilespmem:s19+$0x2080];
	_ =	sdelay $0x2  }
0x138: {  	v4 =	vld [tilespmem:s19+$0x2100];
	v5 =	vmul.f32 v2, v0;
	_ =	sdelay $0x1  }
0x139: {  	v6 =	vmul.f32 v3, v0;
	v5 =	vadd.f32 $5.000000000e+01, v5;
	_ =	sdelay $0x1  }
0x13a: {  	v6 =	vadd.f32 $5.000000000e+01, v6;
	v5 =	vtrunc.f32 v5  }
0x13b: {  	v7 =	vmul.f32 v4, v0;
	v5 =	vcvt.f32.s32 v5  }
0x13c: {  	v6 =	vtrunc.f32 v6  }
0x13d: {  	v7 =	vadd.f32 $5.000000000e+01, v7;
	v6 =	vcvt.f32.s32 v6;
	vm0 =	vgt.s32 v5, $0x0  }
0x13e: {  	v4 =	vand.u32 $0x7FFFFFFF, v4;
	v5 =	vnsel vm0, $0x0, v5  }
0x13f: {  	v7 =	vtrunc.f32 v7;
	vm12 =	vgt.s32 v6, $0x0;
	v5 =	vmin.u32 v5, $0x63  }
0x140: {  	v7 =	vcvt.f32.s32 v7;
	v6 =	vnsel vm12, $0x0, v6;
	v5 =	vmul.u32 $0x64, v5  }
0x141: {  	v2 =	vand.u32 $0x7FFFFFFF, v2;
	v3 =	vand.u32 $0x7FFFFFFF, v3;
	v6 =	vmin.u32 v6, $0x63  }
0x142: {  	vm14 =	vlt.f32 v2, $1.500000000e+00;
	vm13 =	vgt.s32 v7, $0x0;
	v5 =	vadd.s32 v6, v5  }
0x143: {  	vm1 =	vlt.f32 v3, $1.500000000e+00;
	v7 =	vnsel vm13, $0x0, v7;
	v2 =	vmul.u32 $0x64, v5  }
0x144: {  	vm15 =	vlt.f32 v4, $1.500000000e+00;
	vm0 =	vmand vm14, vm1;
	v3 =	vmin.u32 v7, $0x63  }
0x145: {  	vm0 =	vmand vm0, vm15;
	v2 =	vadd.s32 v3, v2  }
0x146: {  	v2 =	vnsel vm0, $0xF4240, v2  }
0x147: {  	s18 =	sshra.s32 s18, $0x2;
	v3 =	vshrl.u32 v2, $0x1;
	v2 =	vshll.u32 v2, $0x2  }
0x148: {  	[tilespmem:s18+$0x4800] =	vst v3;
	v2 =	vand.u32 $0x4, v2  }
0x149: {  	s21 =	simm.s32 $0x4800;
	[tilespmem:s18+$0x5800] =	vst v2  }
0x14a: {  	[tilespmem:s25], [sflag:$0x3] =	stream.indirect.gather [hbm4b:s5+s14], $0x8, s21, s14, $0xb8;
	[tilespmem:$0x12000] =	vst v63  }
0x14b: {  	p1 =	seq.s32 s12, $0x1F  }
0x14c: {  	[tilespmem:s28], [sflag:$0x3] =	stream.indirect.gather [hbm4b:s5+s14], $0x8, s26, s14, $0xb8;
	[tilespmem:$0x12000] =	vst v63  }
0x14d: {  	s17 =	sadd.s32 @!p1 s17, s10  }
0x14e: {  	[tilespmem:s30], [sflag:$0x3] =	stream.indirect.gather [hbm4b:s5+s14], $0x8, s29, s14, $0xb8;
	[tilespmem:$0x12000] =	vst v63  }
0x14f: {  	s17 =	sshrl.u32 @!p1 s17, $0x3  }
0x150: {  	[tilespmem:s0], [sflag:$0x3] =	stream.indirect.gather [hbm4b:s5+s14], $0x8, s31, s14, $0xb8;
	[tilespmem:$0x12000] =	vst v63  }
0x151: {  	s17 =	sadd.s32 @!p1 s4, s17;
	s18 =	simm.s32 @!p1 $0x0  }
0x152: {  	[tilespmem:s18], [sflag:$0x1] =	stream.linear.gather @!p1 [hbm4b:s17+s18], $0x2000, $0x38;
	[tilespmem:$0x12000] =	vst v63  }
0x153: {  	_ =	swait.ge [sflag:s1], $0x1000  }
0x154: {  	[sflag:s1] =	ssyncset.done $0x0  }
0x155: {  	[sflag:s1] =	ssyncadd.s32 $0xFFFFF000  }
0x156: {  	_ =	swait.ge [sflag:s1], $0x1000  }
0x157: {  	[sflag:s1] =	ssyncset.done $0x0  }
0x158: {  	[sflag:s1] =	ssyncadd.s32 $0xFFFFF000  }
0x159: {  	_ =	swait.ge [sflag:s1], $0x1000  }
0x15a: {  	[sflag:s1] =	ssyncset.done $0x0  }
0x15b: {  	[sflag:s1] =	ssyncadd.s32 $0xFFFFF000  }
0x15c: {  	_ =	swait.ge [sflag:s1], $0x1000  }
0x15d: {  	[sflag:s1] =	ssyncset.done $0x0  }
0x15e: {  	s17 =	simm.s32 @!p0 $0x4;
	[sflag:s1] =	ssyncadd.s32 $0xFFFFF000  }
0x15f: {  	_ =	swait.ge @!p0 [sflag:s17], $0x2000  }
0x160: {  	[sflag:s17] =	ssyncset.done @!p0 $0x0  }
0x161: {  	s22 =	simm.s32 $0x0;
	[sflag:s17] =	ssyncadd.s32 @!p0 $0xFFFFE000  }
0x162: {  	v2 =	vld [tilespmem:s22+$0x5000];
	_ =	sdelay $0x1  }
0x163: {  	s17 =	simm.s32 $0x0  }
0x164: {  	v3 =	vmov s17  }
0x165: {  	v3 =	vshll.u32 v3, $0x3  }
0x166: {  	v3 =	vor.u32 v1, v3;
	v55 =	vand.u32 $0xFFFFFFF8, v2  }
0x167: {  	v56 =	vand.u32 $0x7, v2;
	v4 =	vadd.s32 v3, v55  }
0x168: {  	v4 =	vor.u32 v56, v4;
	_ =	sdelay $0x4  }
0x169: {  	v4 =	vld.idx.msk [tilespmem:v4+s16+$0x0], $0xffff;
	_ =	sdelay $0x4  }
0x16a: {  	v4 =	vsub.f32 $0.0e+00, v4;
	_ =	sdelay $0x1  }
0x16b: {  	v4 =	vmul.f32 $1.442695020e+00, v4;
	_ =	sdelay $0x1  }
0x16c: {  	(erf) = vpow2.f32 v4;
	_ =	sdelay $0x8  }
0x16d: {  	v4 =	vpop (erf)  }
0x16e: {  	v4 =	vadd.f32 $1.000000000e+00, v4;
	_ =	sdelay $0x1  }
0x16f: {  	(erf) = vrcp.f32 v4;
	_ =	sdelay $0x2  }
0x170: {  	v57 =	vadd.s32 $0x1, v2  }
0x171: {  	v58 =	vand.u32 $0xFFFFFFF8, v57  }
0x172: {  	v5 =	vadd.s32 v3, v58;
	v4 =	vand.u32 $0x7, v57  }
0x173: {  	v4 =	vor.u32 v4, v5;
	_ =	sdelay $0x1  }
0x174: {  	s23 =	sand.u32 $0x70, s17;
	s24 =	sand.u32 $0x1E00, s17  }
0x175: {  	s20 =	sor.u32 s23, s24;
	v59 =	vpop (erf)  }
0x176: {  	[tilespmem:s20+$0xE000] =	vst v59  }
0x177: {  	v4 =	vld.idx.msk [tilespmem:v4+s16+$0x0], $0xffff;
	_ =	sdelay $0x4  }
0x178: {  	v4 =	vsub.f32 $0.0e+00, v4;
	_ =	sdelay $0x1  }
0x179: {  	v4 =	vmul.f32 $1.442695020e+00, v4;
	_ =	sdelay $0x1  }
0x17a: {  	(erf) = vpow2.f32 v4;
	_ =	sdelay $0x8  }
0x17b: {  	v4 =	vpop (erf)  }
0x17c: {  	v4 =	vadd.f32 $1.000000000e+00, v4;
	_ =	sdelay $0x1  }
0x17d: {  	(erf) = vrcp.f32 v4;
	_ =	sdelay $0x2  }
0x17e: {  	v60 =	vadd.s32 $0x2, v2  }
0x17f: {  	v61 =	vand.u32 $0xFFFFFFF8, v60  }
0x180: {  	v5 =	vadd.s32 v3, v61;
	v4 =	vand.u32 $0x7, v60  }
0x181: {  	v4 =	vor.u32 v4, v5;
	_ =	sdelay $0x2  }
0x182: {  	v62 =	vpop (erf)  }
0x183: {  	[tilespmem:s20+$0xE080] =	vst v62  }
0x184: {  	v4 =	vld.idx.msk [tilespmem:v4+s16+$0x0], $0xffff;
	_ =	sdelay $0x4  }
0x185: {  	v4 =	vsub.f32 $0.0e+00, v4;
	_ =	sdelay $0x1  }
0x186: {  	v4 =	vmul.f32 $1.442695020e+00, v4;
	_ =	sdelay $0x1  }
0x187: {  	(erf) = vpow2.f32 v4;
	_ =	sdelay $0x8  }
0x188: {  	v4 =	vpop (erf)  }
0x189: {  	v4 =	vadd.f32 $1.000000000e+00, v4;
	_ =	sdelay $0x1  }
0x18a: {  	(erf) = vrcp.f32 v4;
	_ =	sdelay $0x2  }
0x18b: {  	v2 =	vadd.s32 $0x3, v2  }
0x18c: {  	v63 =	vand.u32 $0xFFFFFFF8, v2  }
0x18d: {  	v2 =	vand.u32 $0x7, v2;
	v3 =	vadd.s32 v3, v63  }
0x18e: {  	v2 =	vor.u32 v2, v3;
	_ =	sdelay $0x2  }
0x18f: {  	v3 =	vpop (erf)  }
0x190: {  	[tilespmem:s20+$0xE100] =	vst v3  }
0x191: {  	s18 =	simm.s32 $0x40;
	s22 =	simm.s32 $0x80;
	v2 =	vld.idx.msk [tilespmem:v2+s16+$0x0], $0xffff  }
.LBB2_11:
0x192: {  	_ =	sdelay $0x2  }
0x193: {  	s23 =	sshra.s32 s18, $0x2  }
0x194: {  	s17 =	sadd.s32 $0x10, s17;
	s21 =	smov.u32 s22;
	s19 =	sadd.s32 $0x40, s22;
	v2 =	vmax.f32 v2, $0.0e+00  }
0x195: {  	p0 =	sne.s32 s22, $0x1FC0;
	[tilespmem:s20+$0xE180] =	vst v2  }
0x196: {  	v2 =	vld [tilespmem:s23+$0x5000];
	_ =	sdelay $0x1  }
0x197: {  	v3 =	vmov s17  }
0x198: {  	v3 =	vshll.u32 v3, $0x3;
	_ =	sdelay $0x1  }
0x199: {  	v3 =	vor.u32 v1, v3;
	v4 =	vand.u32 $0xFFFFFFF8, v2;
	v5 =	vand.u32 $0x7, v2  }
0x19a: {  	v6 =	vadd.s32 $0x1, v2;
	v7 =	vadd.s32 $0x2, v2;
	v4 =	vadd.s32 v3, v4  }
0x19b: {  	v8 =	vand.u32 $0xFFFFFFF8, v7;
	v4 =	vor.u32 v5, v4;
	v5 =	vand.u32 $0xFFFFFFF8, v6  }
0x19c: {  	v2 =	vadd.s32 $0x3, v2;
	v8 =	vadd.s32 v3, v8;
	v5 =	vadd.s32 v3, v5  }
0x19d: {  	v9 =	vand.u32 $0xFFFFFFF8, v2  }
0x19e: {  	v3 =	vadd.s32 v3, v9;
	_ =	sdelay $0x1  }
0x19f: {  	v4 =	vld.idx.msk [tilespmem:v4+s16+$0x0], $0xffff;
	_ =	sdelay $0x5  }
0x1a0: {  	v4 =	vsub.f32 $0.0e+00, v4;
	_ =	sdelay $0x1  }
0x1a1: {  	v4 =	vmul.f32 $1.442695020e+00, v4;
	_ =	sdelay $0x1  }
0x1a2: {  	(erf) = vpow2.f32 v4;
	_ =	sdelay $0x8  }
0x1a3: {  	v4 =	vpop (erf)  }
0x1a4: {  	v4 =	vadd.f32 $1.000000000e+00, v4;
	_ =	sdelay $0x1  }
0x1a5: {  	(erf) = vrcp.f32 v4;
	_ =	sdelay $0x3  }
0x1a6: {  	v4 =	vand.u32 $0x7, v6  }
0x1a7: {  	v4 =	vor.u32 v4, v5;
	_ =	sdelay $0x1  }
0x1a8: {  	s22 =	sand.u32 $0x1E00, s18;
	s18 =	smov.u32 s21;
	s20 =	sand.u32 $0x70, s17  }
0x1a9: {  	s20 =	sor.u32 s20, s22  }
0x1aa: {  	v5 =	vpop (erf)  }
0x1ab: {  	[tilespmem:s20+$0xE000] =	vst v5  }
0x1ac: {  	v4 =	vld.idx.msk [tilespmem:v4+s16+$0x0], $0xffff;
	_ =	sdelay $0x5  }
0x1ad: {  	v4 =	vsub.f32 $0.0e+00, v4;
	_ =	sdelay $0x1  }
0x1ae: {  	v4 =	vmul.f32 $1.442695020e+00, v4;
	_ =	sdelay $0x1  }
0x1af: {  	(erf) = vpow2.f32 v4;
	_ =	sdelay $0x8  }
0x1b0: {  	v4 =	vpop (erf)  }
0x1b1: {  	v4 =	vadd.f32 $1.000000000e+00, v4;
	_ =	sdelay $0x1  }
0x1b2: {  	(erf) = vrcp.f32 v4;
	_ =	sdelay $0x3  }
0x1b3: {  	v4 =	vand.u32 $0x7, v7  }
0x1b4: {  	v4 =	vor.u32 v4, v8;
	_ =	sdelay $0x3  }
0x1b5: {  	v5 =	vpop (erf)  }
0x1b6: {  	[tilespmem:s20+$0xE080] =	vst v5  }
0x1b7: {  	v4 =	vld.idx.msk [tilespmem:v4+s16+$0x0], $0xffff;
	_ =	sdelay $0x5  }
0x1b8: {  	v4 =	vsub.f32 $0.0e+00, v4;
	_ =	sdelay $0x1  }
0x1b9: {  	v4 =	vmul.f32 $1.442695020e+00, v4;
	_ =	sdelay $0x1  }
0x1ba: {  	(erf) = vpow2.f32 v4;
	_ =	sdelay $0x8  }
0x1bb: {  	v4 =	vpop (erf)  }
0x1bc: {  	v4 =	vadd.f32 $1.000000000e+00, v4;
	_ =	sdelay $0x1  }
0x1bd: {  	(erf) = vrcp.f32 v4;
	_ =	sdelay $0x3  }
0x1be: {  	v2 =	vand.u32 $0x7, v2  }
0x1bf: {  	v2 =	vor.u32 v2, v3;
	_ =	sdelay $0x1  }
.Ltmp4:
0x1c0: {  	(pc) =	sbr.rel @p0 .LBB2_11-.Ltmp4, $4  }
0x1c1: {  	_ = 	snop  }
0x1c2: {  	v3 =	vpop (erf)  }
0x1c3: {  	[tilespmem:s20+$0xE100] =	vst v3  }
0x1c4: {  	s22 =	smov.u32 s19;
	v2 =	vld.idx.msk [tilespmem:v2+s16+$0x0], $0xffff  }
0x1c5: {  	_ =	sdelay $0x3  }
0x1c6: {  	v2 =	vmax.f32 v2, $0.0e+00  }
0x1c7: {  	s19 =	sshra.s32 s18, $0x2;
	[tilespmem:s20+$0xE180] =	vst v2  }
0x1c8: {  	v2 =	vld [tilespmem:s19+$0x5000];
	_ =	sdelay $0x1  }
0x1c9: {  	s17 =	sadd.s32 $0x10, s17  }
0x1ca: {  	v3 =	vmov s17  }
0x1cb: {  	v3 =	vshll.u32 v3, $0x3  }
0x1cc: {  	v3 =	vor.u32 v1, v3;
	v4 =	vand.u32 $0xFFFFFFF8, v2  }
0x1cd: {  	v5 =	vand.u32 $0x7, v2;
	v4 =	vadd.s32 v3, v4  }
0x1ce: {  	v4 =	vor.u32 v5, v4;
	_ =	sdelay $0x4  }
0x1cf: {  	v4 =	vld.idx.msk [tilespmem:v4+s16+$0x0], $0xffff;
	_ =	sdelay $0x4  }
0x1d0: {  	v4 =	vsub.f32 $0.0e+00, v4;
	_ =	sdelay $0x1  }
0x1d1: {  	v4 =	vmul.f32 $1.442695020e+00, v4;
	_ =	sdelay $0x1  }
0x1d2: {  	(erf) = vpow2.f32 v4;
	_ =	sdelay $0x8  }
0x1d3: {  	v4 =	vpop (erf)  }
0x1d4: {  	v4 =	vadd.f32 $1.000000000e+00, v4;
	_ =	sdelay $0x1  }
0x1d5: {  	(erf) = vrcp.f32 v4;
	_ =	sdelay $0x2  }
0x1d6: {  	v57 =	vadd.s32 $0x1, v2  }
0x1d7: {  	v58 =	vand.u32 $0xFFFFFFF8, v57  }
0x1d8: {  	v5 =	vadd.s32 v3, v58;
	v4 =	vand.u32 $0x7, v57  }
0x1d9: {  	v4 =	vor.u32 v4, v5;
	_ =	sdelay $0x1  }
0x1da: {  	s24 =	sand.u32 $0x1E00, s18;
	s17 =	sand.u32 $0x70, s17  }
0x1db: {  	s17 =	sor.u32 s17, s24;
	v59 =	vpop (erf)  }
0x1dc: {  	[tilespmem:s17+$0xE000] =	vst v59  }
0x1dd: {  	v4 =	vld.idx.msk [tilespmem:v4+s16+$0x0], $0xffff;
	_ =	sdelay $0x4  }
0x1de: {  	v4 =	vsub.f32 $0.0e+00, v4;
	_ =	sdelay $0x1  }
0x1df: {  	v4 =	vmul.f32 $1.442695020e+00, v4;
	_ =	sdelay $0x1  }
0x1e0: {  	(erf) = vpow2.f32 v4;
	_ =	sdelay $0x8  }
0x1e1: {  	v4 =	vpop (erf)  }
0x1e2: {  	v4 =	vadd.f32 $1.000000000e+00, v4;
	_ =	sdelay $0x1  }
0x1e3: {  	(erf) = vrcp.f32 v4;
	_ =	sdelay $0x2  }
0x1e4: {  	v60 =	vadd.s32 $0x2, v2  }
0x1e5: {  	v61 =	vand.u32 $0xFFFFFFF8, v60  }
0x1e6: {  	v5 =	vadd.s32 v3, v61;
	v4 =	vand.u32 $0x7, v60  }
0x1e7: {  	v4 =	vor.u32 v4, v5;
	_ =	sdelay $0x2  }
0x1e8: {  	v62 =	vpop (erf)  }
0x1e9: {  	[tilespmem:s17+$0xE080] =	vst v62  }
0x1ea: {  	v4 =	vld.idx.msk [tilespmem:v4+s16+$0x0], $0xffff;
	_ =	sdelay $0x4  }
0x1eb: {  	v4 =	vsub.f32 $0.0e+00, v4;
	_ =	sdelay $0x1  }
0x1ec: {  	v4 =	vmul.f32 $1.442695020e+00, v4;
	_ =	sdelay $0x1  }
0x1ed: {  	(erf) = vpow2.f32 v4;
	_ =	sdelay $0x8  }
0x1ee: {  	v4 =	vpop (erf)  }
0x1ef: {  	v4 =	vadd.f32 $1.000000000e+00, v4;
	_ =	sdelay $0x1  }
0x1f0: {  	(erf) = vrcp.f32 v4;
	_ =	sdelay $0x2  }
0x1f1: {  	v2 =	vadd.s32 $0x3, v2  }
0x1f2: {  	v63 =	vand.u32 $0xFFFFFFF8, v2  }
0x1f3: {  	v2 =	vand.u32 $0x7, v2;
	v3 =	vadd.s32 v3, v63  }
0x1f4: {  	v2 =	vor.u32 v2, v3;
	_ =	sdelay $0x2  }
0x1f5: {  	v3 =	vpop (erf)  }
0x1f6: {  	[tilespmem:s17+$0xE100] =	vst v3  }
0x1f7: {  	v2 =	vld.idx.msk [tilespmem:v2+s16+$0x0], $0xffff  }
0x1f8: {  	s12 =	sadd.s32 $0x1, s12  }
0x1f9: {  	p0 =	sne.s32 s12, $0x20  }
.Ltmp5:
0x1fa: {  	_ = 	snop;
	(pc) =	sbr.rel @p0 .LBB2_2-.Ltmp5, $4  }
0x1fb: {  	_ = 	snop  }
0x1fc: {  	v2 =	vmax.f32 v2, $0.0e+00  }
0x1fd: {  	s15 =	sadd.s32 s2, s15;
	[tilespmem:s17+$0xE180] =	vst v2  }
0x1fe: {  	[hbm4b:s15+s3] =	stream.linear.scatter [tilespmem:s6], [sflag:$0x4], $0x2000, $0x38;
	[tilespmem:$0x12000] =	vst v63  }
0x1ff: {  	_ =	swait.ge [sflag:s11], $0x1000  }
0x200: {  	[sflag:s11] =	ssyncset.done $0x0  }
0x201: {  	[sflag:s11] =	ssyncadd.s32 $0xFFFFF000  }
0x202: {  	_ =	swait.ge [sflag:s11], $0x1000  }
0x203: {  	[sflag:s11] =	ssyncset.done $0x0  }
0x204: {  	[sflag:s11] =	ssyncadd.s32 $0xFFFFF000  }
0x205: {  	_ =	swait.ge [sflag:s11], $0x1000  }
0x206: {  	[sflag:s11] =	ssyncset.done $0x0  }
0x207: {  	[sflag:s11] =	ssyncadd.s32 $0xFFFFF000  }
0x208: {  	_ =	swait.ge [sflag:s11], $0x1000  }
0x209: {  	[sflag:s11] =	ssyncset.done $0x0  }
0x20a: {  	s22 =	simm.s32 $0x5;
	[sflag:s11] =	ssyncadd.s32 $0xFFFFF000  }
0x20b: {  	_ =	swait.ge [sflag:s22], $0x2000  }
0x20c: {  	[sflag:s22] =	ssyncset.done $0x0  }
0x20d: {  	s12 =	simm.s32 $0x0;
	[sflag:s22] =	ssyncadd.s32 $0xFFFFE000  }
0x20e: {  	v2 =	vld [tilespmem:s12+$0x5800];
	_ =	sdelay $0x1  }
0x20f: {  	s12 =	simm.s32 $0x0  }
0x210: {  	v3 =	vmov s12  }
0x211: {  	v3 =	vshll.u32 v3, $0x3  }
0x212: {  	v3 =	vor.u32 v1, v3;
	v4 =	vand.u32 $0xFFFFFFF8, v2  }
0x213: {  	v5 =	vand.u32 $0x7, v2;
	v4 =	vadd.s32 v3, v4  }
0x214: {  	v4 =	vor.u32 v5, v4;
	_ =	sdelay $0x4  }
0x215: {  	v4 =	vld.idx.msk [tilespmem:v4+s25+$0x0], $0xffff;
	_ =	sdelay $0x4  }
0x216: {  	v4 =	vsub.f32 $0.0e+00, v4;
	_ =	sdelay $0x1  }
0x217: {  	v4 =	vmul.f32 $1.442695020e+00, v4;
	_ =	sdelay $0x1  }
0x218: {  	(erf) = vpow2.f32 v4;
	_ =	sdelay $0x8  }
0x219: {  	v4 =	vpop (erf)  }
0x21a: {  	v4 =	vadd.f32 $1.000000000e+00, v4;
	_ =	sdelay $0x1  }
0x21b: {  	(erf) = vrcp.f32 v4;
	_ =	sdelay $0x2  }
0x21c: {  	v57 =	vadd.s32 $0x1, v2  }
0x21d: {  	v58 =	vand.u32 $0xFFFFFFF8, v57  }
0x21e: {  	v5 =	vadd.s32 v3, v58;
	v4 =	vand.u32 $0x7, v57  }
0x21f: {  	v4 =	vor.u32 v4, v5;
	_ =	sdelay $0x1  }
0x220: {  	s15 =	sand.u32 $0x70, s12;
	s17 =	sand.u32 $0x1E00, s12  }
0x221: {  	s18 =	sor.u32 s15, s17;
	v59 =	vpop (erf)  }
0x222: {  	[tilespmem:s18+$0x10000] =	vst v59  }
0x223: {  	v4 =	vld.idx.msk [tilespmem:v4+s25+$0x0], $0xffff;
	_ =	sdelay $0x4  }
0x224: {  	v4 =	vsub.f32 $0.0e+00, v4;
	_ =	sdelay $0x1  }
0x225: {  	v4 =	vmul.f32 $1.442695020e+00, v4;
	_ =	sdelay $0x1  }
0x226: {  	(erf) = vpow2.f32 v4;
	_ =	sdelay $0x8  }
0x227: {  	v4 =	vpop (erf)  }
0x228: {  	v4 =	vadd.f32 $1.000000000e+00, v4;
	_ =	sdelay $0x1  }
0x229: {  	(erf) = vrcp.f32 v4;
	_ =	sdelay $0x2  }
0x22a: {  	v60 =	vadd.s32 $0x2, v2  }
0x22b: {  	v61 =	vand.u32 $0xFFFFFFF8, v60  }
0x22c: {  	v5 =	vadd.s32 v3, v61;
	v4 =	vand.u32 $0x7, v60  }
0x22d: {  	v4 =	vor.u32 v4, v5;
	_ =	sdelay $0x2  }
0x22e: {  	v62 =	vpop (erf)  }
0x22f: {  	[tilespmem:s18+$0x10080] =	vst v62  }
0x230: {  	v4 =	vld.idx.msk [tilespmem:v4+s25+$0x0], $0xffff;
	_ =	sdelay $0x4  }
0x231: {  	v4 =	vsub.f32 $0.0e+00, v4;
	_ =	sdelay $0x1  }
0x232: {  	v4 =	vmul.f32 $1.442695020e+00, v4;
	_ =	sdelay $0x1  }
0x233: {  	(erf) = vpow2.f32 v4;
	_ =	sdelay $0x8  }
0x234: {  	v4 =	vpop (erf)  }
0x235: {  	v4 =	vadd.f32 $1.000000000e+00, v4;
	_ =	sdelay $0x1  }
0x236: {  	(erf) = vrcp.f32 v4;
	_ =	sdelay $0x2  }
0x237: {  	v2 =	vadd.s32 $0x3, v2  }
0x238: {  	v63 =	vand.u32 $0xFFFFFFF8, v2  }
0x239: {  	v2 =	vand.u32 $0x7, v2;
	v3 =	vadd.s32 v3, v63  }
0x23a: {  	v2 =	vor.u32 v2, v3;
	_ =	sdelay $0x2  }
0x23b: {  	v3 =	vpop (erf)  }
0x23c: {  	[tilespmem:s18+$0x10100] =	vst v3  }
0x23d: {  	s20 =	simm.s32 $0x80;
	s15 =	simm.s32 $0x40;
	v2 =	vld.idx.msk [tilespmem:v2+s25+$0x0], $0xffff  }
.LBB2_14:
0x23e: {  	_ =	sdelay $0x2  }
0x23f: {  	s21 =	sshra.s32 s15, $0x2  }
0x240: {  	s12 =	sadd.s32 $0x10, s12;
	s19 =	smov.u32 s20;
	s17 =	sadd.s32 $0x40, s20;
	v2 =	vmax.f32 v2, $0.0e+00  }
0x241: {  	p0 =	sne.s32 s20, $0x1FC0;
	[tilespmem:s18+$0x10180] =	vst v2  }
0x242: {  	v2 =	vld [tilespmem:s21+$0x5800];
	_ =	sdelay $0x1  }
0x243: {  	v3 =	vmov s12  }
0x244: {  	v3 =	vshll.u32 v3, $0x3;
	_ =	sdelay $0x1  }
0x245: {  	v3 =	vor.u32 v1, v3;
	v4 =	vand.u32 $0xFFFFFFF8, v2;
	v5 =	vand.u32 $0x7, v2  }
0x246: {  	v6 =	vadd.s32 $0x1, v2;
	v7 =	vadd.s32 $0x2, v2;
	v4 =	vadd.s32 v3, v4  }
0x247: {  	v8 =	vand.u32 $0xFFFFFFF8, v7;
	v4 =	vor.u32 v5, v4;
	v5 =	vand.u32 $0xFFFFFFF8, v6  }
0x248: {  	v2 =	vadd.s32 $0x3, v2;
	v8 =	vadd.s32 v3, v8;
	v5 =	vadd.s32 v3, v5  }
0x249: {  	v9 =	vand.u32 $0xFFFFFFF8, v2  }
0x24a: {  	v3 =	vadd.s32 v3, v9;
	_ =	sdelay $0x1  }
0x24b: {  	v4 =	vld.idx.msk [tilespmem:v4+s25+$0x0], $0xffff;
	_ =	sdelay $0x5  }
0x24c: {  	v4 =	vsub.f32 $0.0e+00, v4;
	_ =	sdelay $0x1  }
0x24d: {  	v4 =	vmul.f32 $1.442695020e+00, v4;
	_ =	sdelay $0x1  }
0x24e: {  	(erf) = vpow2.f32 v4;
	_ =	sdelay $0x8  }
0x24f: {  	v4 =	vpop (erf)  }
0x250: {  	v4 =	vadd.f32 $1.000000000e+00, v4;
	_ =	sdelay $0x1  }
0x251: {  	(erf) = vrcp.f32 v4;
	_ =	sdelay $0x3  }
0x252: {  	v4 =	vand.u32 $0x7, v6  }
0x253: {  	v4 =	vor.u32 v4, v5;
	_ =	sdelay $0x1  }
0x254: {  	s20 =	sand.u32 $0x1E00, s15;
	s15 =	smov.u32 s19;
	s18 =	sand.u32 $0x70, s12  }
0x255: {  	s18 =	sor.u32 s18, s20  }
0x256: {  	v5 =	vpop (erf)  }
0x257: {  	[tilespmem:s18+$0x10000] =	vst v5  }
0x258: {  	v4 =	vld.idx.msk [tilespmem:v4+s25+$0x0], $0xffff;
	_ =	sdelay $0x5  }
0x259: {  	v4 =	vsub.f32 $0.0e+00, v4;
	_ =	sdelay $0x1  }
0x25a: {  	v4 =	vmul.f32 $1.442695020e+00, v4;
	_ =	sdelay $0x1  }
0x25b: {  	(erf) = vpow2.f32 v4;
	_ =	sdelay $0x8  }
0x25c: {  	v4 =	vpop (erf)  }
0x25d: {  	v4 =	vadd.f32 $1.000000000e+00, v4;
	_ =	sdelay $0x1  }
0x25e: {  	(erf) = vrcp.f32 v4;
	_ =	sdelay $0x3  }
0x25f: {  	v4 =	vand.u32 $0x7, v7  }
0x260: {  	v4 =	vor.u32 v4, v8;
	_ =	sdelay $0x3  }
0x261: {  	v5 =	vpop (erf)  }
0x262: {  	[tilespmem:s18+$0x10080] =	vst v5  }
0x263: {  	v4 =	vld.idx.msk [tilespmem:v4+s25+$0x0], $0xffff;
	_ =	sdelay $0x5  }
0x264: {  	v4 =	vsub.f32 $0.0e+00, v4;
	_ =	sdelay $0x1  }
0x265: {  	v4 =	vmul.f32 $1.442695020e+00, v4;
	_ =	sdelay $0x1  }
0x266: {  	(erf) = vpow2.f32 v4;
	_ =	sdelay $0x8  }
0x267: {  	v4 =	vpop (erf)  }
0x268: {  	v4 =	vadd.f32 $1.000000000e+00, v4;
	_ =	sdelay $0x1  }
0x269: {  	(erf) = vrcp.f32 v4;
	_ =	sdelay $0x3  }
0x26a: {  	v2 =	vand.u32 $0x7, v2  }
0x26b: {  	v2 =	vor.u32 v2, v3;
	_ =	sdelay $0x1  }
.Ltmp6:
0x26c: {  	(pc) =	sbr.rel @p0 .LBB2_14-.Ltmp6, $4  }
0x26d: {  	_ = 	snop  }
0x26e: {  	v3 =	vpop (erf)  }
0x26f: {  	[tilespmem:s18+$0x10100] =	vst v3  }
0x270: {  	s20 =	smov.u32 s17;
	v2 =	vld.idx.msk [tilespmem:v2+s25+$0x0], $0xffff  }
0x271: {  	_ =	sdelay $0x3  }
0x272: {  	v2 =	vmax.f32 v2, $0.0e+00  }
0x273: {  	s17 =	sshra.s32 s15, $0x2;
	[tilespmem:s18+$0x10180] =	vst v2  }
0x274: {  	v2 =	vld [tilespmem:s17+$0x5800];
	_ =	sdelay $0x1  }
0x275: {  	s12 =	sadd.s32 $0x10, s12  }
0x276: {  	v3 =	vmov s12  }
0x277: {  	v3 =	vshll.u32 v3, $0x3  }
0x278: {  	v3 =	vor.u32 v1, v3;
	v4 =	vand.u32 $0xFFFFFFF8, v2  }
0x279: {  	v5 =	vand.u32 $0x7, v2;
	v4 =	vadd.s32 v3, v4  }
0x27a: {  	v4 =	vor.u32 v5, v4;
	_ =	sdelay $0x4  }
0x27b: {  	v4 =	vld.idx.msk [tilespmem:v4+s25+$0x0], $0xffff;
	_ =	sdelay $0x4  }
0x27c: {  	v4 =	vsub.f32 $0.0e+00, v4;
	_ =	sdelay $0x1  }
0x27d: {  	v4 =	vmul.f32 $1.442695020e+00, v4;
	_ =	sdelay $0x1  }
0x27e: {  	(erf) = vpow2.f32 v4;
	_ =	sdelay $0x8  }
0x27f: {  	v4 =	vpop (erf)  }
0x280: {  	v4 =	vadd.f32 $1.000000000e+00, v4;
	_ =	sdelay $0x1  }
0x281: {  	(erf) = vrcp.f32 v4;
	_ =	sdelay $0x2  }
0x282: {  	v57 =	vadd.s32 $0x1, v2  }
0x283: {  	v58 =	vand.u32 $0xFFFFFFF8, v57  }
0x284: {  	v5 =	vadd.s32 v3, v58;
	v4 =	vand.u32 $0x7, v57  }
0x285: {  	v4 =	vor.u32 v4, v5;
	_ =	sdelay $0x1  }
0x286: {  	s12 =	sand.u32 $0x70, s12;
	s18 =	sand.u32 $0x1E00, s15  }
0x287: {  	s12 =	sor.u32 s12, s18;
	v59 =	vpop (erf)  }
0x288: {  	[tilespmem:s12+$0x10000] =	vst v59  }
0x289: {  	v4 =	vld.idx.msk [tilespmem:v4+s25+$0x0], $0xffff;
	_ =	sdelay $0x4  }
0x28a: {  	v4 =	vsub.f32 $0.0e+00, v4;
	_ =	sdelay $0x1  }
0x28b: {  	v4 =	vmul.f32 $1.442695020e+00, v4;
	_ =	sdelay $0x1  }
0x28c: {  	(erf) = vpow2.f32 v4;
	_ =	sdelay $0x8  }
0x28d: {  	v4 =	vpop (erf)  }
0x28e: {  	v4 =	vadd.f32 $1.000000000e+00, v4;
	_ =	sdelay $0x1  }
0x28f: {  	(erf) = vrcp.f32 v4;
	_ =	sdelay $0x2  }
0x290: {  	v60 =	vadd.s32 $0x2, v2  }
0x291: {  	v61 =	vand.u32 $0xFFFFFFF8, v60  }
0x292: {  	v5 =	vadd.s32 v3, v61;
	v4 =	vand.u32 $0x7, v60  }
0x293: {  	v4 =	vor.u32 v4, v5;
	_ =	sdelay $0x2  }
0x294: {  	v62 =	vpop (erf)  }
0x295: {  	[tilespmem:s12+$0x10080] =	vst v62  }
0x296: {  	v4 =	vld.idx.msk [tilespmem:v4+s25+$0x0], $0xffff;
	_ =	sdelay $0x4  }
0x297: {  	v4 =	vsub.f32 $0.0e+00, v4;
	_ =	sdelay $0x1  }
0x298: {  	v4 =	vmul.f32 $1.442695020e+00, v4;
	_ =	sdelay $0x1  }
0x299: {  	(erf) = vpow2.f32 v4;
	_ =	sdelay $0x8  }
0x29a: {  	v4 =	vpop (erf)  }
0x29b: {  	v4 =	vadd.f32 $1.000000000e+00, v4;
	_ =	sdelay $0x1  }
0x29c: {  	(erf) = vrcp.f32 v4;
	_ =	sdelay $0x2  }
0x29d: {  	v2 =	vadd.s32 $0x3, v2  }
0x29e: {  	v63 =	vand.u32 $0xFFFFFFF8, v2  }
0x29f: {  	v2 =	vand.u32 $0x7, v2;
	v3 =	vadd.s32 v3, v63  }
0x2a0: {  	v2 =	vor.u32 v2, v3;
	_ =	sdelay $0x2  }
0x2a1: {  	v3 =	vpop (erf)  }
0x2a2: {  	[tilespmem:s12+$0x10100] =	vst v3  }
0x2a3: {  	v2 =	vld.idx.msk [tilespmem:v2+s25+$0x0], $0xffff;
	_ =	sdelay $0x4  }
0x2a4: {  	v2 =	vmax.f32 v2, $0.0e+00  }
0x2a5: {  	s19 =	rddreg [dreg:$0x4];
	s20 =	simm.s32 $0x10000;
	s21 =	simm.s32 $0x4;
	[tilespmem:s12+$0x10180] =	vst v2  }
0x2a6: {  	[hbm4b:s19+s3] =	stream.linear.scatter [tilespmem:s20], [sflag:$0x5], $0x2000, $0x38;
	[tilespmem:$0x12000] =	vst v63  }
0x2a7: {  	_ =	swait.ge [sflag:s21], $0x2000  }
0x2a8: {  	[sflag:s21] =	ssyncset.done $0x0  }
0x2a9: {  	[sflag:s21] =	ssyncadd.s32 $0xFFFFE000  }
0x2aa: {  	_ =	swait.ge [sflag:s22], $0x2000  }
0x2ab: {  	s23 =	rddreg [dreg:$0x6]  }
0x2ac: {  	s24 =	rddreg [dreg:$0x5];
	s15 =	sadd.s32 $0x1, s23  }
0x2ad: {  	p0 =	sne.s32 s15, s24  }
.Ltmp7:
0x2ae: {  	_ = 	snop;
	(pc) =	sbr.rel @p0 .LBB2_1-.Ltmp7, $3  }
0x2af: {  	_ =	sdelay $0x1  }
0x2b0: {  	[sflag:s22] =	ssyncset.done $0x0  }
0x2b1: {  	[sflag:s22] =	ssyncadd.s32 $0xFFFFE000  }
0x2b2: {  	_ =	sfence.sel $0x180000  }
0x2b3: {  	[bflag:$0x0] =	sbarrier.arrive $0xFFFF  }
0x2b4: {  	_ =	strace $0x90000047  }
0x2b5: {  	s0 =	stileid.u32;
	[bflag:$0x2] =	sbarrier.arrive $0xFFFF  }
0x2b6: {  	p0 =	sne.s32 s0, $0x0;
	s0 =	rddreg [dreg:$0x2]  }
0x2b7: {  	s0 =	sadd.s32 @!p0 $0x100000, s0  }
0x2b8: {  	[sflag:s0] =	ssyncadd.tile.s32 @!p0 $0x1;
	_ =	shalt  }
.Lfunc_end2:
_tile_overlayer_lowered:
.L_overlay_start_2:
0x2b9: {  	(tag) =	ssettag $0x2  }
0x2ba: {  	s0 =	rddreg [dreg:$0x0];
	s2 =	stileid.u32  }
0x2bb: {  	s1 =	rddreg [dreg:$0x1];
	p0 =	sne.s32 s2, $0x0  }
0x2bc: {  	s3 =	rddreg [dreg:$0x2];
	[bflag:$0x3] =	sbarrier.arrive $0xFFFF;
	s2 =	simm.s32 @!p0 $0x1C06  }
0x2bd: {  	[timem:s3], [sflag:s2] =	dma.local @!p0 [hbm:s0], s1  }
0x2be: {  	s0 =	simm.s32 @!p0 $0x6  }
0x2bf: {  	_ =	swait.ge @!p0 [sflag:s0], s1  }
0x2c0: {  	s1 =	ssub.s32 @!p0 $0x0, s1;
	[sflag:s0] =	ssyncset.done @!p0 $0x0  }
0x2c1: {  	[sflag:s0] =	ssyncadd.s32 @!p0 s1  }
0x2c2: {  	[bflag:$0x3] =	sbarrier.arrive $0xFFFF  }
0x2c3: {  	_ =	shalt  }

</sc_bundles>
